<compile_context>
chip_gen: v7x
topology: tpu7x:2x2x1
jax: 0.10.2.dev20260603
libtpu: 0.0.44.dev20260713+nightly
codegen_flags: <defaults>
</compile_context>

<pallas_src>
import functools

import numpy as np
import jax
import jax.numpy as jnp
from jax import lax
from jax.experimental import pallas as pl
from jax.experimental.pallas import tpu as pltpu
from jax.experimental.pallas import tpu_sc as plsc

MIN_LEVEL = 3
MAX_LEVEL = 7
NUM_SCALES = 3
ASPECT_RATIOS = (0.5, 1.0, 2.0)
ANCHOR_SIZE = 4.0
POS_T = 0.5
NEG_T = 0.4
BOX_VARIANCE = np.array([0.1, 0.1, 0.2, 0.2], dtype=np.float32)
IMG_H = 512
IMG_W = 512

NUM_CORES = 2
NUM_SUBCORES = 16
LANES = 16
NW = NUM_CORES * NUM_SUBCORES


def _gen_anchors_np(image_h, image_w):
    all_anchors = []
    for level in range(MIN_LEVEL, MAX_LEVEL + 1):
        stride = 2 ** level
        fh = image_h // stride
        fw = image_w // stride
        cx = (np.arange(fw, dtype=np.float32) + 0.5) * stride
        cy = (np.arange(fh, dtype=np.float32) + 0.5) * stride
        cxg, cyg = np.meshgrid(cx, cy)
        dims = []
        for s in range(NUM_SCALES):
            size = ANCHOR_SIZE * stride * (2.0 ** (float(s) / NUM_SCALES))
            for ar in ASPECT_RATIOS:
                dims.append((size * np.sqrt(ar), size / np.sqrt(ar)))
        dims = np.array(dims, dtype=np.float32)
        centers = np.stack([cxg, cyg], axis=-1).reshape(-1, 1, 2)
        wh = dims.reshape(1, -1, 2)
        anchors = np.concatenate(
            [centers - wh / 2.0, centers + wh / 2.0], axis=-1).reshape(-1, 4)
        all_anchors.append(anchors)
    return np.concatenate(all_anchors, axis=0).astype(np.float32)


_ANCHORS = _gen_anchors_np(IMG_H, IMG_W)
M = _ANCHORS.shape[0]
M_PAD = ((M + 16 * NW - 1) // (16 * NW)) * (16 * NW)
CHUNK = M_PAD // NW
VPC = CHUNK // LANES
_PAD_ROWS = np.tile(_ANCHORS[:1], (M_PAD - M, 1))
_ANCH_PAD = np.concatenate([_ANCHORS, _PAD_ROWS], axis=0)

_A_X1 = _ANCH_PAD[:, 0]
_A_Y1 = _ANCH_PAD[:, 1]
_A_X2 = _ANCH_PAD[:, 2]
_A_Y2 = _ANCH_PAD[:, 3]
_A_AREA = (_A_X2 - _A_X1) * (_A_Y2 - _A_Y1)
_ANCH_SC = np.stack([_A_X1, _A_Y1, _A_X2, _A_Y2, _A_AREA], axis=0)
_A_W = _A_X2 - _A_X1
_A_H = _A_Y2 - _A_Y1
_A_CX = _A_X1 + 0.5 * _A_W
_A_CY = _A_Y1 + 0.5 * _A_H
_ANCH_TC = np.stack([_A_CY, _A_CX, _A_H, _A_W], axis=0).reshape(4, M_PAD // 128, 128)


def _sc_match(B, N):
    mesh = plsc.VectorSubcoreMesh(core_axis_name="c", subcore_axis_name="s")
    L = LANES

    def body(gt_hbm, anch_hbm, out_hbm, gt_v, area_v, anch_v, out_v):
        wid = lax.axis_index("s") * NUM_CORES + lax.axis_index("c")
        base_m = wid * CHUNK
        for q in range(5):
            pltpu.sync_copy(anch_hbm.at[pl.ds(q * M_PAD + base_m, CHUNK)],
                            anch_v.at[pl.ds(q * CHUNK, CHUNK)])
        pltpu.sync_copy(gt_hbm, gt_v)

        def area_body(n, _):
            for b in range(B):
                base = (b * 5 * N + n) * L
                gx1 = gt_v[pl.ds(base, L)]
                gy1 = gt_v[pl.ds(base + N * L, L)]
                gx2 = gt_v[pl.ds(base + 2 * N * L, L)]
                gy2 = gt_v[pl.ds(base + 3 * N * L, L)]
                area_v[pl.ds((b * N + n) * L, L)] = (gx2 - gx1) * (gy2 - gy1)
            return 0
        lax.fori_loop(0, N, area_body, 0)

        lane = lax.iota(jnp.int32, L)
        for b in range(B):
            def v_body(v, _, b=b):
                mb = v * L
                ax1 = anch_v[pl.ds(mb, L)]
                ay1 = anch_v[pl.ds(CHUNK + mb, L)]
                ax2 = anch_v[pl.ds(2 * CHUNK + mb, L)]
                ay2 = anch_v[pl.ds(3 * CHUNK + mb, L)]
                aarea = anch_v[pl.ds(4 * CHUNK + mb, L)]

                def n_body(n, st):
                    biou, bidx = st
                    gbase = (b * 5 * N + n) * L
                    gx1 = gt_v[pl.ds(gbase, L)]
                    gy1 = gt_v[pl.ds(gbase + N * L, L)]
                    gx2 = gt_v[pl.ds(gbase + 2 * N * L, L)]
                    gy2 = gt_v[pl.ds(gbase + 3 * N * L, L)]
                    garea = area_v[pl.ds((b * N + n) * L, L)]
                    w = jnp.maximum(
                        jnp.minimum(ax2, gx2) - jnp.maximum(ax1, gx1), 0.0)
                    h = jnp.maximum(
                        jnp.minimum(ay2, gy2) - jnp.maximum(ay1, gy1), 0.0)
                    inter = w * h
                    union = aarea + garea - inter
                    iou = inter / jnp.maximum(union, 1e-8)
                    upd = iou > biou
                    return (jnp.where(upd, iou, biou),
                            jnp.where(upd, n, bidx))

                biou, bidx = lax.fori_loop(
                    0, N, n_body,
                    (jnp.full((L,), -1.0, jnp.float32),
                     jnp.zeros((L,), jnp.int32)))
                flat = bidx * L + lane
                for q in range(5):
                    out_v[pl.ds((q * B + b) * CHUNK + mb, L)] = (
                        plsc.load_gather(gt_v, [flat + (b * 5 + q) * N * L]))
                out_v[pl.ds((5 * B + b) * CHUNK + mb, L)] = biou
                return 0
            lax.fori_loop(0, VPC, v_body, 0)

        for q in range(6):
            for b in range(B):
                pltpu.sync_copy(
                    out_v.at[pl.ds((q * B + b) * CHUNK, CHUNK)],
                    out_hbm.at[pl.ds((q * B + b) * M_PAD + base_m, CHUNK)])

    return pl.kernel(
        body,
        out_type=jax.ShapeDtypeStruct((6 * B * M_PAD,), jnp.float32),
        mesh=mesh,
        compiler_params=pltpu.CompilerParams(needs_layout_passes=False),
        scratch_types=[
            pltpu.VMEM((B * 5 * N * L,), jnp.float32),
            pltpu.VMEM((B * N * L,), jnp.float32),
            pltpu.VMEM((5 * CHUNK,), jnp.float32),
            pltpu.VMEM((6 * B * CHUNK,), jnp.float32),
        ],
    )


def _tc_encode_body(B, m_ref, a_ref, bt_ref, ct_ref):
    acy = a_ref[0]
    acx = a_ref[1]
    ah = a_ref[2]
    aw = a_ref[3]
    for b in range(B):
        mx1 = m_ref[0, b]
        my1 = m_ref[1, b]
        mx2 = m_ref[2, b]
        my2 = m_ref[3, b]
        mcls = m_ref[4, b]
        miou = m_ref[5, b]
        gw = mx2 - mx1
        gh = my2 - my1
        gcx = mx1 + 0.5 * gw
        gcy = my1 + 0.5 * gh
        ty = ((gcy - acy) / ah) / BOX_VARIANCE[0]
        tx = ((gcx - acx) / aw) / BOX_VARIANCE[1]
        th = jnp.log(gh / ah) / BOX_VARIANCE[2]
        tw = jnp.log(gw / aw) / BOX_VARIANCE[3]
        pos = miou >= POS_T
        neg = miou < NEG_T
        bt_ref[b, 0] = jnp.where(pos, ty, 0.0)
        bt_ref[b, 1] = jnp.where(pos, tx, 0.0)
        bt_ref[b, 2] = jnp.where(pos, th, 0.0)
        bt_ref[b, 3] = jnp.where(pos, tw, 0.0)
        ct_ref[b] = jnp.where(pos, mcls, jnp.where(neg, -1.0, -2.0))


def kernel(images, boxes, classes):
    B, N = boxes.shape[0], boxes.shape[1]
    del images

    gt = jnp.stack(
        [boxes[..., 0], boxes[..., 1], boxes[..., 2], boxes[..., 3],
         classes.astype(jnp.float32)], axis=1)
    gtb = jnp.broadcast_to(gt[..., None], (B, 5, N, LANES)).reshape(-1)

    matched = _sc_match(B, N)(gtb, jnp.asarray(_ANCH_SC.reshape(-1)))

    rows = M_PAD // 128
    m4 = matched.reshape(6, B, rows, 128)
    bt, ct = pl.pallas_call(
        functools.partial(_tc_encode_body, B),
        out_shape=[
            jax.ShapeDtypeStruct((B, 4, rows, 128), jnp.float32),
            jax.ShapeDtypeStruct((B, rows, 128), jnp.float32),
        ],
    )(m4, jnp.asarray(_ANCH_TC))

    box_targets = bt.reshape(B, 4, M_PAD)[:, :, :M].transpose(0, 2, 1)
    class_targets = ct.reshape(B, M_PAD)[:, :M, None]
    return box_targets, class_targets

# --- scband reference (transcript-rebuilt; emitter-appended) ---
"""Pipeline reference for scband-retina-net-label-encoder-30451318129017 (READ-ONLY COPY).

The authoritative reference and input builder live on the scoring server;
editing this copy changes nothing except your own understanding.
"""

import jax, jax.numpy as jnp
import numpy as np

MIN_LEVEL = 3
MAX_LEVEL = 7
NUM_SCALES = 3
ASPECT_RATIOS = (0.5, 1.0, 2.0)
ANCHOR_SIZE = 4.0
POS_T = 0.5
NEG_T = 0.4
BOX_VARIANCE = np.array([0.1, 0.1, 0.2, 0.2], dtype=np.float32)
BACKGROUND_CLASS = -1.0
IGNORE_CLASS = -2.0
IMG_H = 512
IMG_W = 512


def generate_anchors(image_h, image_w):
    all_anchors = []
    for level in range(MIN_LEVEL, MAX_LEVEL + 1):
        stride = 2 ** level
        fh = image_h // stride
        fw = image_w // stride
        cx = (np.arange(fw, dtype=np.float32) + 0.5) * stride
        cy = (np.arange(fh, dtype=np.float32) + 0.5) * stride
        cxg, cyg = np.meshgrid(cx, cy)
        dims = []
        for s in range(NUM_SCALES):
            size = ANCHOR_SIZE * stride * (2.0 ** (float(s) / NUM_SCALES))
            for ar in ASPECT_RATIOS:
                dims.append((size * np.sqrt(ar), size / np.sqrt(ar)))
        dims = np.array(dims, dtype=np.float32)
        centers = np.stack([cxg, cyg], axis=-1).reshape(-1, 1, 2)
        wh = dims.reshape(1, -1, 2)
        anchors = np.concatenate([centers - wh / 2.0, centers + wh / 2.0], axis=-1).reshape(-1, 4)
        all_anchors.append(anchors)
    return jnp.asarray(np.concatenate(all_anchors, axis=0))


def compute_iou(anchors, gt_boxes):
    # anchors: [M, 4] xyxy, gt_boxes: [B, N, 4] xyxy -> iou [B, M, N]
    lt = jnp.maximum(anchors[None, :, None, :2], gt_boxes[:, None, :, :2])
    rb = jnp.minimum(anchors[None, :, None, 2:], gt_boxes[:, None, :, 2:])
    wh = jnp.maximum(rb - lt, 0.0)
    inter = wh[..., 0] * wh[..., 1]
    area_a = (anchors[:, 2] - anchors[:, 0]) * (anchors[:, 3] - anchors[:, 1])
    area_g = (gt_boxes[..., 2] - gt_boxes[..., 0]) * (gt_boxes[..., 3] - gt_boxes[..., 1])
    union = area_a[None, :, None] + area_g[:, None, :] - inter
    return inter / jnp.maximum(union, 1e-8)


def xyxy_to_cycxhw(b):
    w = b[..., 2] - b[..., 0]
    h = b[..., 3] - b[..., 1]
    cx = b[..., 0] + 0.5 * w
    cy = b[..., 1] + 0.5 * h
    return cy, cx, h, w


def _encode(images, boxes, classes):
    H = images.shape[1]
    W = images.shape[2]
    anchor_boxes = generate_anchors(H, W)  # [M, 4]
    iou = compute_iou(anchor_boxes, boxes)  # [B, M, N]
    # BoxMatcher(thresholds=[0.4, 0.5], match_values=[-1, -2, 1])
    matched_gt_idx = jnp.argmax(iou, axis=-1)  # [B, M]
    matched_iou = jnp.max(iou, axis=-1)  # [B, M]
    matched_vals = jnp.where(matched_iou >= POS_T, 1, jnp.where(matched_iou < NEG_T, -1, -2))
    positive_mask = (matched_vals == 1)[..., None]
    # target_gather of matched gt boxes
    matched_gt_boxes = jnp.take_along_axis(boxes, matched_gt_idx[..., None], axis=1)  # [B, M, 4]
    a_cy, a_cx, a_h, a_w = xyxy_to_cycxhw(anchor_boxes)  # [M]
    g_cy, g_cx, g_h, g_w = xyxy_to_cycxhw(matched_gt_boxes)  # [B, M]
    box_target = jnp.stack(
        [(g_cy - a_cy) / a_h, (g_cx - a_cx) / a_w, jnp.log(g_h / a_h), jnp.log(g_w / a_w)],
        axis=-1,
    )
    box_target = box_target / jnp.asarray(BOX_VARIANCE)
    box_targets = jnp.where(positive_mask, box_target, 0.0)  # [B, M, 4]
    cls = classes[..., None] if classes.ndim == 2 else classes
    matched_cls = jnp.take_along_axis(cls, matched_gt_idx[..., None], axis=1)  # [B, M, 1]
    mv = matched_vals[..., None]
    class_targets = jnp.where(mv == -1, jnp.float32(BACKGROUND_CLASS), matched_cls)
    class_targets = jnp.where(mv == -2, jnp.float32(IGNORE_CLASS), class_targets)  # [B, M, 1]
    return box_targets, class_targets


def setup_inputs(seed: int = 0):
    key = jax.random.key(seed)
    k1, k2, k3, k4 = jax.random.split(key, 4)
    B, N = 2, 100
    images = jax.random.uniform(k1, (B, IMG_H, IMG_W, 3), dtype=jnp.float32)
    xy = jax.random.uniform(k2, (B, N, 2), minval=0.0, maxval=380.0, dtype=jnp.float32)
    wh = jax.random.uniform(k3, (B, N, 2), minval=16.0, maxval=128.0, dtype=jnp.float32)
    boxes = jnp.concatenate([xy, xy + wh], axis=-1)
    classes = jax.random.randint(k4, (B, N), 0, 80).astype(jnp.float32)
    return {"images": images, "boxes": boxes, "classes": classes}


def reference(images, boxes, classes):
    return _encode(images, boxes, classes)

if __name__ == "__main__":
    import jax
    _d = setup_inputs()
    print(jax.jit(kernel)(*tuple(_d.values())))

</pallas_src>

<mosaic_0001>
#map = affine_map<(d0, d1) -> (0)>
module attributes {stable_mosaic.version = 14 : i64} {
  func.func @body(%arg0: i32, %arg1: i32, %arg2: memref<16000xf32, #tpu.memory_space<hbm>>, %arg3: memref<245760xf32, #tpu.memory_space<hbm>>, %arg4: memref<589824xf32, #tpu.memory_space<hbm>>, %arg5: memref<16000xf32, #tpu.memory_space<vmem>>, %arg6: memref<3200xf32, #tpu.memory_space<vmem>>, %arg7: memref<7680xf32, #tpu.memory_space<vmem>>, %arg8: memref<18432xf32, #tpu.memory_space<vmem>>) attributes {dimension_semantics = [#tpu.dimension_semantics<core_parallel>, #tpu.dimension_semantics<subcore_parallel>], iteration_bounds = array<i64: 2, 16>, scalar_prefetch = 0 : i64, scratch_operands = 4 : i64, tpu.core_type = #tpu.core_type<sc_vector_subcore>, window_params = [{transform_indices = #map}, {transform_indices = #map}, {transform_indices = #map}]} {
    %mul3A = arith.constant 2 : i32
    %mul3A_0 = arith.muli %arg1, %mul3A : i32
    %add3A = arith.addi %mul3A_0, %arg0 : i32
    %mul3A_1 = arith.constant 1536 : i32
    %mul3A_2 = arith.muli %add3A, %mul3A_1 : i32
    %add3A_3 = arith.constant 0 : i32
    %add3A_4 = arith.addi %add3A_3, %mul3A_2 : i32
    "tpu.region"() ({
      %run_scoped3A = tpu.sem_alloc : memref<!tpu.dma_semaphore, #tpu.memory_space<semaphore_mem>>
      %dma_start3A = arith.constant 0 : i32
      %dma_start3A_57 = tpu.memref_slice %arg7[%dma_start3A] : memref<7680xf32, #tpu.memory_space<vmem>> -> memref<1536xf32, #tpu.memory_space<vmem>>
      %dma_start3A_58 = tpu.memref_slice %arg3[%add3A_4] : memref<245760xf32, #tpu.memory_space<hbm>> -> memref<1536xf32, #tpu.memory_space<hbm>>
      %dma_start3A_59 = arith.constant 0 : i32
      %dma_start3A_60 = tpu.memref_slice %arg7[%dma_start3A_59] : memref<7680xf32, #tpu.memory_space<vmem>> -> memref<1536xf32, #tpu.memory_space<vmem>>
      %dma_start3A_61 = tpu.memref_slice %arg3[%add3A_4] : memref<245760xf32, #tpu.memory_space<hbm>> -> memref<1536xf32, #tpu.memory_space<hbm>>
      tpu.enqueue_dma source(%dma_start3A_61 : memref<1536xf32, #tpu.memory_space<hbm>>) target(%dma_start3A_60 : memref<1536xf32, #tpu.memory_space<vmem>>) target_semaphore(%run_scoped3A : memref<!tpu.dma_semaphore, #tpu.memory_space<semaphore_mem>>)
      %dma_wait3A = arith.constant 0 : i32
      %dma_wait3A_62 = tpu.memref_slice %arg7[%dma_wait3A] : memref<7680xf32, #tpu.memory_space<vmem>> -> memref<1536xf32, #tpu.memory_space<vmem>>
      %dma_wait3A_63 = tpu.memref_slice %arg3[%add3A_4] : memref<245760xf32, #tpu.memory_space<hbm>> -> memref<1536xf32, #tpu.memory_space<hbm>>
      %dma_wait3A_64 = arith.constant 0 : i32
      %dma_wait3A_65 = tpu.memref_slice %arg7[%dma_wait3A_64] : memref<7680xf32, #tpu.memory_space<vmem>> -> memref<1536xf32, #tpu.memory_space<vmem>>
      %dma_wait3A_66 = tpu.memref_slice %arg3[%add3A_4] : memref<245760xf32, #tpu.memory_space<hbm>> -> memref<1536xf32, #tpu.memory_space<hbm>>
      tpu.wait_dma2 semaphore(%run_scoped3A : memref<!tpu.dma_semaphore, #tpu.memory_space<semaphore_mem>>) src(%dma_wait3A_66 : memref<1536xf32, #tpu.memory_space<hbm>>) dst(%dma_wait3A_65 : memref<1536xf32, #tpu.memory_space<vmem>>)
      tpu.yield
    }) : () -> ()
    %add3A_5 = arith.constant 49152 : i32
    %add3A_6 = arith.addi %add3A_5, %mul3A_2 : i32
    "tpu.region"() ({
      %run_scoped3A = tpu.sem_alloc : memref<!tpu.dma_semaphore, #tpu.memory_space<semaphore_mem>>
      %dma_start3A = arith.constant 1536 : i32
      %dma_start3A_57 = tpu.memref_slice %arg7[%dma_start3A] : memref<7680xf32, #tpu.memory_space<vmem>> -> memref<1536xf32, #tpu.memory_space<vmem>>
      %dma_start3A_58 = tpu.memref_slice %arg3[%add3A_6] : memref<245760xf32, #tpu.memory_space<hbm>> -> memref<1536xf32, #tpu.memory_space<hbm>>
      %dma_start3A_59 = arith.constant 1536 : i32
      %dma_start3A_60 = tpu.memref_slice %arg7[%dma_start3A_59] : memref<7680xf32, #tpu.memory_space<vmem>> -> memref<1536xf32, #tpu.memory_space<vmem>>
      %dma_start3A_61 = tpu.memref_slice %arg3[%add3A_6] : memref<245760xf32, #tpu.memory_space<hbm>> -> memref<1536xf32, #tpu.memory_space<hbm>>
      tpu.enqueue_dma source(%dma_start3A_61 : memref<1536xf32, #tpu.memory_space<hbm>>) target(%dma_start3A_60 : memref<1536xf32, #tpu.memory_space<vmem>>) target_semaphore(%run_scoped3A : memref<!tpu.dma_semaphore, #tpu.memory_space<semaphore_mem>>)
      %dma_wait3A = arith.constant 1536 : i32
      %dma_wait3A_62 = tpu.memref_slice %arg7[%dma_wait3A] : memref<7680xf32, #tpu.memory_space<vmem>> -> memref<1536xf32, #tpu.memory_space<vmem>>
      %dma_wait3A_63 = tpu.memref_slice %arg3[%add3A_6] : memref<245760xf32, #tpu.memory_space<hbm>> -> memref<1536xf32, #tpu.memory_space<hbm>>
      %dma_wait3A_64 = arith.constant 1536 : i32
      %dma_wait3A_65 = tpu.memref_slice %arg7[%dma_wait3A_64] : memref<7680xf32, #tpu.memory_space<vmem>> -> memref<1536xf32, #tpu.memory_space<vmem>>
      %dma_wait3A_66 = tpu.memref_slice %arg3[%add3A_6] : memref<245760xf32, #tpu.memory_space<hbm>> -> memref<1536xf32, #tpu.memory_space<hbm>>
      tpu.wait_dma2 semaphore(%run_scoped3A : memref<!tpu.dma_semaphore, #tpu.memory_space<semaphore_mem>>) src(%dma_wait3A_66 : memref<1536xf32, #tpu.memory_space<hbm>>) dst(%dma_wait3A_65 : memref<1536xf32, #tpu.memory_space<vmem>>)
      tpu.yield
    }) : () -> ()
    %add3A_7 = arith.constant 98304 : i32
    %add3A_8 = arith.addi %add3A_7, %mul3A_2 : i32
    "tpu.region"() ({
      %run_scoped3A = tpu.sem_alloc : memref<!tpu.dma_semaphore, #tpu.memory_space<semaphore_mem>>
      %dma_start3A = arith.constant 3072 : i32
      %dma_start3A_57 = tpu.memref_slice %arg7[%dma_start3A] : memref<7680xf32, #tpu.memory_space<vmem>> -> memref<1536xf32, #tpu.memory_space<vmem>>
      %dma_start3A_58 = tpu.memref_slice %arg3[%add3A_8] : memref<245760xf32, #tpu.memory_space<hbm>> -> memref<1536xf32, #tpu.memory_space<hbm>>
      %dma_start3A_59 = arith.constant 3072 : i32
      %dma_start3A_60 = tpu.memref_slice %arg7[%dma_start3A_59] : memref<7680xf32, #tpu.memory_space<vmem>> -> memref<1536xf32, #tpu.memory_space<vmem>>
      %dma_start3A_61 = tpu.memref_slice %arg3[%add3A_8] : memref<245760xf32, #tpu.memory_space<hbm>> -> memref<1536xf32, #tpu.memory_space<hbm>>
      tpu.enqueue_dma source(%dma_start3A_61 : memref<1536xf32, #tpu.memory_space<hbm>>) target(%dma_start3A_60 : memref<1536xf32, #tpu.memory_space<vmem>>) target_semaphore(%run_scoped3A : memref<!tpu.dma_semaphore, #tpu.memory_space<semaphore_mem>>)
      %dma_wait3A = arith.constant 3072 : i32
      %dma_wait3A_62 = tpu.memref_slice %arg7[%dma_wait3A] : memref<7680xf32, #tpu.memory_space<vmem>> -> memref<1536xf32, #tpu.memory_space<vmem>>
      %dma_wait3A_63 = tpu.memref_slice %arg3[%add3A_8] : memref<245760xf32, #tpu.memory_space<hbm>> -> memref<1536xf32, #tpu.memory_space<hbm>>
      %dma_wait3A_64 = arith.constant 3072 : i32
      %dma_wait3A_65 = tpu.memref_slice %arg7[%dma_wait3A_64] : memref<7680xf32, #tpu.memory_space<vmem>> -> memref<1536xf32, #tpu.memory_space<vmem>>
      %dma_wait3A_66 = tpu.memref_slice %arg3[%add3A_8] : memref<245760xf32, #tpu.memory_space<hbm>> -> memref<1536xf32, #tpu.memory_space<hbm>>
      tpu.wait_dma2 semaphore(%run_scoped3A : memref<!tpu.dma_semaphore, #tpu.memory_space<semaphore_mem>>) src(%dma_wait3A_66 : memref<1536xf32, #tpu.memory_space<hbm>>) dst(%dma_wait3A_65 : memref<1536xf32, #tpu.memory_space<vmem>>)
      tpu.yield
    }) : () -> ()
    %add3A_9 = arith.constant 147456 : i32
    %add3A_10 = arith.addi %add3A_9, %mul3A_2 : i32
    "tpu.region"() ({
      %run_scoped3A = tpu.sem_alloc : memref<!tpu.dma_semaphore, #tpu.memory_space<semaphore_mem>>
      %dma_start3A = arith.constant 4608 : i32
      %dma_start3A_57 = tpu.memref_slice %arg7[%dma_start3A] : memref<7680xf32, #tpu.memory_space<vmem>> -> memref<1536xf32, #tpu.memory_space<vmem>>
      %dma_start3A_58 = tpu.memref_slice %arg3[%add3A_10] : memref<245760xf32, #tpu.memory_space<hbm>> -> memref<1536xf32, #tpu.memory_space<hbm>>
      %dma_start3A_59 = arith.constant 4608 : i32
      %dma_start3A_60 = tpu.memref_slice %arg7[%dma_start3A_59] : memref<7680xf32, #tpu.memory_space<vmem>> -> memref<1536xf32, #tpu.memory_space<vmem>>
      %dma_start3A_61 = tpu.memref_slice %arg3[%add3A_10] : memref<245760xf32, #tpu.memory_space<hbm>> -> memref<1536xf32, #tpu.memory_space<hbm>>
      tpu.enqueue_dma source(%dma_start3A_61 : memref<1536xf32, #tpu.memory_space<hbm>>) target(%dma_start3A_60 : memref<1536xf32, #tpu.memory_space<vmem>>) target_semaphore(%run_scoped3A : memref<!tpu.dma_semaphore, #tpu.memory_space<semaphore_mem>>)
      %dma_wait3A = arith.constant 4608 : i32
      %dma_wait3A_62 = tpu.memref_slice %arg7[%dma_wait3A] : memref<7680xf32, #tpu.memory_space<vmem>> -> memref<1536xf32, #tpu.memory_space<vmem>>
      %dma_wait3A_63 = tpu.memref_slice %arg3[%add3A_10] : memref<245760xf32, #tpu.memory_space<hbm>> -> memref<1536xf32, #tpu.memory_space<hbm>>
      %dma_wait3A_64 = arith.constant 4608 : i32
      %dma_wait3A_65 = tpu.memref_slice %arg7[%dma_wait3A_64] : memref<7680xf32, #tpu.memory_space<vmem>> -> memref<1536xf32, #tpu.memory_space<vmem>>
      %dma_wait3A_66 = tpu.memref_slice %arg3[%add3A_10] : memref<245760xf32, #tpu.memory_space<hbm>> -> memref<1536xf32, #tpu.memory_space<hbm>>
      tpu.wait_dma2 semaphore(%run_scoped3A : memref<!tpu.dma_semaphore, #tpu.memory_space<semaphore_mem>>) src(%dma_wait3A_66 : memref<1536xf32, #tpu.memory_space<hbm>>) dst(%dma_wait3A_65 : memref<1536xf32, #tpu.memory_space<vmem>>)
      tpu.yield
    }) : () -> ()
    %add3A_11 = arith.constant 196608 : i32
    %add3A_12 = arith.addi %add3A_11, %mul3A_2 : i32
    "tpu.region"() ({
      %run_scoped3A = tpu.sem_alloc : memref<!tpu.dma_semaphore, #tpu.memory_space<semaphore_mem>>
      %dma_start3A = arith.constant 6144 : i32
      %dma_start3A_57 = tpu.memref_slice %arg7[%dma_start3A] : memref<7680xf32, #tpu.memory_space<vmem>> -> memref<1536xf32, #tpu.memory_space<vmem>>
      %dma_start3A_58 = tpu.memref_slice %arg3[%add3A_12] : memref<245760xf32, #tpu.memory_space<hbm>> -> memref<1536xf32, #tpu.memory_space<hbm>>
      %dma_start3A_59 = arith.constant 6144 : i32
      %dma_start3A_60 = tpu.memref_slice %arg7[%dma_start3A_59] : memref<7680xf32, #tpu.memory_space<vmem>> -> memref<1536xf32, #tpu.memory_space<vmem>>
      %dma_start3A_61 = tpu.memref_slice %arg3[%add3A_12] : memref<245760xf32, #tpu.memory_space<hbm>> -> memref<1536xf32, #tpu.memory_space<hbm>>
      tpu.enqueue_dma source(%dma_start3A_61 : memref<1536xf32, #tpu.memory_space<hbm>>) target(%dma_start3A_60 : memref<1536xf32, #tpu.memory_space<vmem>>) target_semaphore(%run_scoped3A : memref<!tpu.dma_semaphore, #tpu.memory_space<semaphore_mem>>)
      %dma_wait3A = arith.constant 6144 : i32
      %dma_wait3A_62 = tpu.memref_slice %arg7[%dma_wait3A] : memref<7680xf32, #tpu.memory_space<vmem>> -> memref<1536xf32, #tpu.memory_space<vmem>>
      %dma_wait3A_63 = tpu.memref_slice %arg3[%add3A_12] : memref<245760xf32, #tpu.memory_space<hbm>> -> memref<1536xf32, #tpu.memory_space<hbm>>
      %dma_wait3A_64 = arith.constant 6144 : i32
      %dma_wait3A_65 = tpu.memref_slice %arg7[%dma_wait3A_64] : memref<7680xf32, #tpu.memory_space<vmem>> -> memref<1536xf32, #tpu.memory_space<vmem>>
      %dma_wait3A_66 = tpu.memref_slice %arg3[%add3A_12] : memref<245760xf32, #tpu.memory_space<hbm>> -> memref<1536xf32, #tpu.memory_space<hbm>>
      tpu.wait_dma2 semaphore(%run_scoped3A : memref<!tpu.dma_semaphore, #tpu.memory_space<semaphore_mem>>) src(%dma_wait3A_66 : memref<1536xf32, #tpu.memory_space<hbm>>) dst(%dma_wait3A_65 : memref<1536xf32, #tpu.memory_space<vmem>>)
      tpu.yield
    }) : () -> ()
    "tpu.region"() ({
      %run_scoped3A = tpu.sem_alloc : memref<!tpu.dma_semaphore, #tpu.memory_space<semaphore_mem>>
      tpu.enqueue_dma source(%arg2 : memref<16000xf32, #tpu.memory_space<hbm>>) target(%arg5 : memref<16000xf32, #tpu.memory_space<vmem>>) target_semaphore(%run_scoped3A : memref<!tpu.dma_semaphore, #tpu.memory_space<semaphore_mem>>)
      tpu.wait_dma2 semaphore(%run_scoped3A : memref<!tpu.dma_semaphore, #tpu.memory_space<semaphore_mem>>) src(%arg2 : memref<16000xf32, #tpu.memory_space<hbm>>) dst(%arg5 : memref<16000xf32, #tpu.memory_space<vmem>>)
      tpu.yield
    }) : () -> ()
    %scan3A = arith.constant 0 : i32
    %scan3A_13 = arith.constant 0 : i32
    %scan3A_14 = arith.constant 100 : i32
    %scan3A_15 = arith.addi %scan3A_13, %scan3A_14 : i32
    %scan3A_16 = arith.constant 1 : i32
    %scan3A_17 = scf.for %scan3A_57 = %scan3A_13 to %scan3A_15 step %scan3A_16 iter_args(%scan3A_58 = %scan3A) -> (i32)  : i32 {
      %add3A_59 = arith.constant 0 : i32
      %add3A_60 = arith.addi %add3A_59, %scan3A_57 : i32
      %mul3A_61 = arith.constant 16 : i32
      %mul3A_62 = arith.muli %add3A_60, %mul3A_61 : i32
      %get3A = arith.index_cast %mul3A_62 : i32 to index
      %get3A_63 = tpu.vector_load %arg5[%get3A] {strides = array<i32>} : memref<16000xf32, #tpu.memory_space<vmem>>, vector<16xf32>,
      %add3A_64 = arith.constant 1600 : i32
      %add3A_65 = arith.addi %mul3A_62, %add3A_64 : i32
      %get3A_66 = arith.index_cast %add3A_65 : i32 to index
      %get3A_67 = tpu.vector_load %arg5[%get3A_66] {strides = array<i32>} : memref<16000xf32, #tpu.memory_space<vmem>>, vector<16xf32>,
      %add3A_68 = arith.constant 3200 : i32
      %add3A_69 = arith.addi %mul3A_62, %add3A_68 : i32
      %get3A_70 = arith.index_cast %add3A_69 : i32 to index
      %get3A_71 = tpu.vector_load %arg5[%get3A_70] {strides = array<i32>} : memref<16000xf32, #tpu.memory_space<vmem>>, vector<16xf32>,
      %add3A_72 = arith.constant 4800 : i32
      %add3A_73 = arith.addi %mul3A_62, %add3A_72 : i32
      %get3A_74 = arith.index_cast %add3A_73 : i32 to index
      %get3A_75 = tpu.vector_load %arg5[%get3A_74] {strides = array<i32>} : memref<16000xf32, #tpu.memory_space<vmem>>, vector<16xf32>,
      %sub3A = arith.subf %get3A_71, %get3A_63 : vector<16xf32>
      %sub3A_76 = arith.subf %get3A_75, %get3A_67 : vector<16xf32>
      %mul3A_77 = arith.mulf %sub3A, %sub3A_76 : vector<16xf32>
      %add3A_78 = arith.constant 0 : i32
      %add3A_79 = arith.addi %add3A_78, %scan3A_57 : i32
      %mul3A_80 = arith.constant 16 : i32
      %mul3A_81 = arith.muli %add3A_79, %mul3A_80 : i32
      %swap3A = arith.index_cast %mul3A_81 : i32 to index
      %swap3A_82 = tpu.vector_load %arg6[%swap3A] {strides = array<i32>} : memref<3200xf32, #tpu.memory_space<vmem>>, vector<16xf32>,
      tpu.vector_store %arg6[%swap3A], %mul3A_77 {strides = array<i32>} : memref<3200xf32, #tpu.memory_space<vmem>>, vector<16xf32>,
      %add3A_83 = arith.constant 500 : i32
      %add3A_84 = arith.addi %add3A_83, %scan3A_57 : i32
      %mul3A_85 = arith.constant 16 : i32
      %mul3A_86 = arith.muli %add3A_84, %mul3A_85 : i32
      %get3A_87 = arith.index_cast %mul3A_86 : i32 to index
      %get3A_88 = tpu.vector_load %arg5[%get3A_87] {strides = array<i32>} : memref<16000xf32, #tpu.memory_space<vmem>>, vector<16xf32>,
      %add3A_89 = arith.constant 1600 : i32
      %add3A_90 = arith.addi %mul3A_86, %add3A_89 : i32
      %get3A_91 = arith.index_cast %add3A_90 : i32 to index
      %get3A_92 = tpu.vector_load %arg5[%get3A_91] {strides = array<i32>} : memref<16000xf32, #tpu.memory_space<vmem>>, vector<16xf32>,
      %add3A_93 = arith.constant 3200 : i32
      %add3A_94 = arith.addi %mul3A_86, %add3A_93 : i32
      %get3A_95 = arith.index_cast %add3A_94 : i32 to index
      %get3A_96 = tpu.vector_load %arg5[%get3A_95] {strides = array<i32>} : memref<16000xf32, #tpu.memory_space<vmem>>, vector<16xf32>,
      %add3A_97 = arith.constant 4800 : i32
      %add3A_98 = arith.addi %mul3A_86, %add3A_97 : i32
      %get3A_99 = arith.index_cast %add3A_98 : i32 to index
      %get3A_100 = tpu.vector_load %arg5[%get3A_99] {strides = array<i32>} : memref<16000xf32, #tpu.memory_space<vmem>>, vector<16xf32>,
      %sub3A_101 = arith.subf %get3A_96, %get3A_88 : vector<16xf32>
      %sub3A_102 = arith.subf %get3A_100, %get3A_92 : vector<16xf32>
      %mul3A_103 = arith.mulf %sub3A_101, %sub3A_102 : vector<16xf32>
      %add3A_104 = arith.constant 100 : i32
      %add3A_105 = arith.addi %add3A_104, %scan3A_57 : i32
      %mul3A_106 = arith.constant 16 : i32
      %mul3A_107 = arith.muli %add3A_105, %mul3A_106 : i32
      %swap3A_108 = arith.index_cast %mul3A_107 : i32 to index
      %swap3A_109 = tpu.vector_load %arg6[%swap3A_108] {strides = array<i32>} : memref<3200xf32, #tpu.memory_space<vmem>>, vector<16xf32>,
      tpu.vector_store %arg6[%swap3A_108], %mul3A_103 {strides = array<i32>} : memref<3200xf32, #tpu.memory_space<vmem>>, vector<16xf32>,
      %scan3A_110 = arith.constant 0 : i32
      scf.yield %scan3A_110 : i32
    }
    %scan3A_18 = arith.constant 100 : i32
    %iota3A = tpu.iota {dimensions = array<i32: 0>} : vector<16xi32>
    %scan3A_19 = arith.constant 0 : i32
    %scan3A_20 = arith.constant 0 : i32
    %scan3A_21 = arith.constant 96 : i32
    %scan3A_22 = arith.addi %scan3A_20, %scan3A_21 : i32
    %scan3A_23 = arith.constant 1 : i32
    %scan3A_24 = scf.for %scan3A_57 = %scan3A_20 to %scan3A_22 step %scan3A_23 iter_args(%scan3A_58 = %scan3A_19) -> (i32)  : i32 {
      %mul3A_59 = arith.constant 16 : i32
      %mul3A_60 = arith.muli %scan3A_57, %mul3A_59 : i32
      %get3A = arith.index_cast %mul3A_60 : i32 to index
      %get3A_61 = tpu.vector_load %arg7[%get3A] {strides = array<i32>} : memref<7680xf32, #tpu.memory_space<vmem>>, vector<16xf32>,
      %add3A_62 = arith.constant 1536 : i32
      %add3A_63 = arith.addi %add3A_62, %mul3A_60 : i32
      %get3A_64 = arith.index_cast %add3A_63 : i32 to index
      %get3A_65 = tpu.vector_load %arg7[%get3A_64] {strides = array<i32>} : memref<7680xf32, #tpu.memory_space<vmem>>, vector<16xf32>,
      %add3A_66 = arith.constant 3072 : i32
      %add3A_67 = arith.addi %add3A_66, %mul3A_60 : i32
      %get3A_68 = arith.index_cast %add3A_67 : i32 to index
      %get3A_69 = tpu.vector_load %arg7[%get3A_68] {strides = array<i32>} : memref<7680xf32, #tpu.memory_space<vmem>>, vector<16xf32>,
      %add3A_70 = arith.constant 4608 : i32
      %add3A_71 = arith.addi %add3A_70, %mul3A_60 : i32
      %get3A_72 = arith.index_cast %add3A_71 : i32 to index
      %get3A_73 = tpu.vector_load %arg7[%get3A_72] {strides = array<i32>} : memref<7680xf32, #tpu.memory_space<vmem>>, vector<16xf32>,
      %add3A_74 = arith.constant 6144 : i32
      %add3A_75 = arith.addi %add3A_74, %mul3A_60 : i32
      %get3A_76 = arith.index_cast %add3A_75 : i32 to index
      %get3A_77 = tpu.vector_load %arg7[%get3A_76] {strides = array<i32>} : memref<7680xf32, #tpu.memory_space<vmem>>, vector<16xf32>,
      %broadcast_in_dim3A = arith.constant -1.000000e+00 : f32
      %broadcast_in_dim3A_78 = vector.broadcast %broadcast_in_dim3A : f32 to vector<16xf32>
      %broadcast_in_dim3A_79 = arith.constant 0 : i32
      %broadcast_in_dim3A_80 = vector.broadcast %broadcast_in_dim3A_79 : i32 to vector<16xi32>
      %scan3A_81 = arith.constant 0 : i32
      %scan3A_82 = arith.constant 100 : i32
      %scan3A_83 = arith.addi %scan3A_81, %scan3A_82 : i32
      %scan3A_84 = arith.constant 1 : i32
      %scan3A_85:2 = scf.for %scan3A_134 = %scan3A_81 to %scan3A_83 step %scan3A_84 iter_args(%scan3A_135 = %broadcast_in_dim3A_78, %scan3A_136 = %broadcast_in_dim3A_80) -> (vector<16xf32>, vector<16xi32>)  : i32 {
        %add3A_137 = arith.constant 0 : i32
        %add3A_138 = arith.addi %add3A_137, %scan3A_134 : i32
        %mul3A_139 = arith.constant 16 : i32
        %mul3A_140 = arith.muli %add3A_138, %mul3A_139 : i32
        %get3A_141 = arith.index_cast %mul3A_140 : i32 to index
        %get3A_142 = tpu.vector_load %arg5[%get3A_141] {strides = array<i32>} : memref<16000xf32, #tpu.memory_space<vmem>>, vector<16xf32>,
        %add3A_143 = arith.constant 1600 : i32
        %add3A_144 = arith.addi %mul3A_140, %add3A_143 : i32
        %get3A_145 = arith.index_cast %add3A_144 : i32 to index
        %get3A_146 = tpu.vector_load %arg5[%get3A_145] {strides = array<i32>} : memref<16000xf32, #tpu.memory_space<vmem>>, vector<16xf32>,
        %add3A_147 = arith.constant 3200 : i32
        %add3A_148 = arith.addi %mul3A_140, %add3A_147 : i32
        %get3A_149 = arith.index_cast %add3A_148 : i32 to index
        %get3A_150 = tpu.vector_load %arg5[%get3A_149] {strides = array<i32>} : memref<16000xf32, #tpu.memory_space<vmem>>, vector<16xf32>,
        %add3A_151 = arith.constant 4800 : i32
        %add3A_152 = arith.addi %mul3A_140, %add3A_151 : i32
        %get3A_153 = arith.index_cast %add3A_152 : i32 to index
        %get3A_154 = tpu.vector_load %arg5[%get3A_153] {strides = array<i32>} : memref<16000xf32, #tpu.memory_space<vmem>>, vector<16xf32>,
        %add3A_155 = arith.constant 0 : i32
        %add3A_156 = arith.addi %add3A_155, %scan3A_134 : i32
        %mul3A_157 = arith.constant 16 : i32
        %mul3A_158 = arith.muli %add3A_156, %mul3A_157 : i32
        %get3A_159 = arith.index_cast %mul3A_158 : i32 to index
        %get3A_160 = tpu.vector_load %arg6[%get3A_159] {strides = array<i32>} : memref<3200xf32, #tpu.memory_space<vmem>>, vector<16xf32>,
        %min3A = arith.minimumf %get3A_69, %get3A_150 : vector<16xf32>
        %max3A = arith.maximumf %get3A_61, %get3A_142 : vector<16xf32>
        %sub3A = arith.subf %min3A, %max3A : vector<16xf32>
        %max3A_161 = arith.constant 0.000000e+00 : f32
        %max3A_162 = vector.broadcast %max3A_161 : f32 to vector<16xf32>
        %max3A_163 = arith.maximumf %sub3A, %max3A_162 : vector<16xf32>
        %min3A_164 = arith.minimumf %get3A_73, %get3A_154 : vector<16xf32>
        %max3A_165 = arith.maximumf %get3A_65, %get3A_146 : vector<16xf32>
        %sub3A_166 = arith.subf %min3A_164, %max3A_165 : vector<16xf32>
        %max3A_167 = arith.constant 0.000000e+00 : f32
        %max3A_168 = vector.broadcast %max3A_167 : f32 to vector<16xf32>
        %max3A_169 = arith.maximumf %sub3A_166, %max3A_168 : vector<16xf32>
        %mul3A_170 = arith.mulf %max3A_163, %max3A_169 : vector<16xf32>
        %add3A_171 = arith.addf %get3A_77, %get3A_160 : vector<16xf32>
        %sub3A_172 = arith.subf %add3A_171, %mul3A_170 : vector<16xf32>
        %max3A_173 = arith.constant 9.99999993E-9 : f32
        %max3A_174 = vector.broadcast %max3A_173 : f32 to vector<16xf32>
        %max3A_175 = arith.maximumf %sub3A_172, %max3A_174 : vector<16xf32>
        %div3A = arith.divf %mul3A_170, %max3A_175 : vector<16xf32>
        %gt3A = arith.cmpf ogt, %div3A, %scan3A_135 : vector<16xf32>
        %select_n3A = arith.select %gt3A, %div3A, %scan3A_135 : vector<16xi1>, vector<16xf32>
        %broadcast_in_dim3A_176 = vector.broadcast %scan3A_134 : i32 to vector<16xi32>
        %select_n3A_177 = arith.select %gt3A, %broadcast_in_dim3A_176, %scan3A_136 : vector<16xi1>, vector<16xi32>
        scf.yield %select_n3A, %select_n3A_177 : vector<16xf32>, vector<16xi32>
      }
      %scan3A_86 = arith.constant 100 : i32
      %mul3A_87 = arith.constant 16 : i32
      %mul3A_88 = vector.broadcast %mul3A_87 : i32 to vector<16xi32>
      %mul3A_89 = arith.muli %scan3A_85#1, %mul3A_88 : vector<16xi32>
      %add3A_90 = arith.addi %mul3A_89, %iota3A : vector<16xi32>
      %add3A_91 = arith.constant 0 : i32
      %add3A_92 = vector.broadcast %add3A_91 : i32 to vector<16xi32>
      %add3A_93 = arith.addi %add3A_90, %add3A_92 : vector<16xi32>
      %gather3A = tpu.vector_load_idx %arg5[%add3A_93] : memref<16000xf32, #tpu.memory_space<vmem>>[vector<16xi32>], vector<16xf32>,
      %add3A_94 = arith.constant 0 : i32
      %add3A_95 = arith.addi %add3A_94, %mul3A_60 : i32
      %swap3A = arith.index_cast %add3A_95 : i32 to index
      %swap3A_96 = tpu.vector_load %arg8[%swap3A] {strides = array<i32>} : memref<18432xf32, #tpu.memory_space<vmem>>, vector<16xf32>,
      tpu.vector_store %arg8[%swap3A], %gather3A {strides = array<i32>} : memref<18432xf32, #tpu.memory_space<vmem>>, vector<16xf32>,
      %add3A_97 = arith.constant 1600 : i32
      %add3A_98 = vector.broadcast %add3A_97 : i32 to vector<16xi32>
      %add3A_99 = arith.addi %add3A_90, %add3A_98 : vector<16xi32>
      %gather3A_100 = tpu.vector_load_idx %arg5[%add3A_99] : memref<16000xf32, #tpu.memory_space<vmem>>[vector<16xi32>], vector<16xf32>,
      %add3A_101 = arith.constant 3072 : i32
      %add3A_102 = arith.addi %add3A_101, %mul3A_60 : i32
      %swap3A_103 = arith.index_cast %add3A_102 : i32 to index
      %swap3A_104 = tpu.vector_load %arg8[%swap3A_103] {strides = array<i32>} : memref<18432xf32, #tpu.memory_space<vmem>>, vector<16xf32>,
      tpu.vector_store %arg8[%swap3A_103], %gather3A_100 {strides = array<i32>} : memref<18432xf32, #tpu.memory_space<vmem>>, vector<16xf32>,
      %add3A_105 = arith.constant 3200 : i32
      %add3A_106 = vector.broadcast %add3A_105 : i32 to vector<16xi32>
      %add3A_107 = arith.addi %add3A_90, %add3A_106 : vector<16xi32>
      %gather3A_108 = tpu.vector_load_idx %arg5[%add3A_107] : memref<16000xf32, #tpu.memory_space<vmem>>[vector<16xi32>], vector<16xf32>,
      %add3A_109 = arith.constant 6144 : i32
      %add3A_110 = arith.addi %add3A_109, %mul3A_60 : i32
      %swap3A_111 = arith.index_cast %add3A_110 : i32 to index
      %swap3A_112 = tpu.vector_load %arg8[%swap3A_111] {strides = array<i32>} : memref<18432xf32, #tpu.memory_space<vmem>>, vector<16xf32>,
      tpu.vector_store %arg8[%swap3A_111], %gather3A_108 {strides = array<i32>} : memref<18432xf32, #tpu.memory_space<vmem>>, vector<16xf32>,
      %add3A_113 = arith.constant 4800 : i32
      %add3A_114 = vector.broadcast %add3A_113 : i32 to vector<16xi32>
      %add3A_115 = arith.addi %add3A_90, %add3A_114 : vector<16xi32>
      %gather3A_116 = tpu.vector_load_idx %arg5[%add3A_115] : memref<16000xf32, #tpu.memory_space<vmem>>[vector<16xi32>], vector<16xf32>,
      %add3A_117 = arith.constant 9216 : i32
      %add3A_118 = arith.addi %add3A_117, %mul3A_60 : i32
      %swap3A_119 = arith.index_cast %add3A_118 : i32 to index
      %swap3A_120 = tpu.vector_load %arg8[%swap3A_119] {strides = array<i32>} : memref<18432xf32, #tpu.memory_space<vmem>>, vector<16xf32>,
      tpu.vector_store %arg8[%swap3A_119], %gather3A_116 {strides = array<i32>} : memref<18432xf32, #tpu.memory_space<vmem>>, vector<16xf32>,
      %add3A_121 = arith.constant 6400 : i32
      %add3A_122 = vector.broadcast %add3A_121 : i32 to vector<16xi32>
      %add3A_123 = arith.addi %add3A_90, %add3A_122 : vector<16xi32>
      %gather3A_124 = tpu.vector_load_idx %arg5[%add3A_123] : memref<16000xf32, #tpu.memory_space<vmem>>[vector<16xi32>], vector<16xf32>,
      %add3A_125 = arith.constant 12288 : i32
      %add3A_126 = arith.addi %add3A_125, %mul3A_60 : i32
      %swap3A_127 = arith.index_cast %add3A_126 : i32 to index
      %swap3A_128 = tpu.vector_load %arg8[%swap3A_127] {strides = array<i32>} : memref<18432xf32, #tpu.memory_space<vmem>>, vector<16xf32>,
      tpu.vector_store %arg8[%swap3A_127], %gather3A_124 {strides = array<i32>} : memref<18432xf32, #tpu.memory_space<vmem>>, vector<16xf32>,
      %add3A_129 = arith.constant 15360 : i32
      %add3A_130 = arith.addi %add3A_129, %mul3A_60 : i32
      %swap3A_131 = arith.index_cast %add3A_130 : i32 to index
      %swap3A_132 = tpu.vector_load %arg8[%swap3A_131] {strides = array<i32>} : memref<18432xf32, #tpu.memory_space<vmem>>, vector<16xf32>,
      tpu.vector_store %arg8[%swap3A_131], %scan3A_85#0 {strides = array<i32>} : memref<18432xf32, #tpu.memory_space<vmem>>, vector<16xf32>,
      %scan3A_133 = arith.constant 0 : i32
      scf.yield %scan3A_133 : i32
    }
    %scan3A_25 = arith.constant 96 : i32
    %scan3A_26 = arith.constant 0 : i32
    %scan3A_27 = arith.constant 0 : i32
    %scan3A_28 = arith.constant 96 : i32
    %scan3A_29 = arith.addi %scan3A_27, %scan3A_28 : i32
    %scan3A_30 = arith.constant 1 : i32
    %scan3A_31 = scf.for %scan3A_57 = %scan3A_27 to %scan3A_29 step %scan3A_30 iter_args(%scan3A_58 = %scan3A_26) -> (i32)  : i32 {
      %mul3A_59 = arith.constant 16 : i32
      %mul3A_60 = arith.muli %scan3A_57, %mul3A_59 : i32
      %get3A = arith.index_cast %mul3A_60 : i32 to index
      %get3A_61 = tpu.vector_load %arg7[%get3A] {strides = array<i32>} : memref<7680xf32, #tpu.memory_space<vmem>>, vector<16xf32>,
      %add3A_62 = arith.constant 1536 : i32
      %add3A_63 = arith.addi %add3A_62, %mul3A_60 : i32
      %get3A_64 = arith.index_cast %add3A_63 : i32 to index
      %get3A_65 = tpu.vector_load %arg7[%get3A_64] {strides = array<i32>} : memref<7680xf32, #tpu.memory_space<vmem>>, vector<16xf32>,
      %add3A_66 = arith.constant 3072 : i32
      %add3A_67 = arith.addi %add3A_66, %mul3A_60 : i32
      %get3A_68 = arith.index_cast %add3A_67 : i32 to index
      %get3A_69 = tpu.vector_load %arg7[%get3A_68] {strides = array<i32>} : memref<7680xf32, #tpu.memory_space<vmem>>, vector<16xf32>,
      %add3A_70 = arith.constant 4608 : i32
      %add3A_71 = arith.addi %add3A_70, %mul3A_60 : i32
      %get3A_72 = arith.index_cast %add3A_71 : i32 to index
      %get3A_73 = tpu.vector_load %arg7[%get3A_72] {strides = array<i32>} : memref<7680xf32, #tpu.memory_space<vmem>>, vector<16xf32>,
      %add3A_74 = arith.constant 6144 : i32
      %add3A_75 = arith.addi %add3A_74, %mul3A_60 : i32
      %get3A_76 = arith.index_cast %add3A_75 : i32 to index
      %get3A_77 = tpu.vector_load %arg7[%get3A_76] {strides = array<i32>} : memref<7680xf32, #tpu.memory_space<vmem>>, vector<16xf32>,
      %broadcast_in_dim3A = arith.constant -1.000000e+00 : f32
      %broadcast_in_dim3A_78 = vector.broadcast %broadcast_in_dim3A : f32 to vector<16xf32>
      %broadcast_in_dim3A_79 = arith.constant 0 : i32
      %broadcast_in_dim3A_80 = vector.broadcast %broadcast_in_dim3A_79 : i32 to vector<16xi32>
      %scan3A_81 = arith.constant 0 : i32
      %scan3A_82 = arith.constant 100 : i32
      %scan3A_83 = arith.addi %scan3A_81, %scan3A_82 : i32
      %scan3A_84 = arith.constant 1 : i32
      %scan3A_85:2 = scf.for %scan3A_134 = %scan3A_81 to %scan3A_83 step %scan3A_84 iter_args(%scan3A_135 = %broadcast_in_dim3A_78, %scan3A_136 = %broadcast_in_dim3A_80) -> (vector<16xf32>, vector<16xi32>)  : i32 {
        %add3A_137 = arith.constant 500 : i32
        %add3A_138 = arith.addi %add3A_137, %scan3A_134 : i32
        %mul3A_139 = arith.constant 16 : i32
        %mul3A_140 = arith.muli %add3A_138, %mul3A_139 : i32
        %get3A_141 = arith.index_cast %mul3A_140 : i32 to index
        %get3A_142 = tpu.vector_load %arg5[%get3A_141] {strides = array<i32>} : memref<16000xf32, #tpu.memory_space<vmem>>, vector<16xf32>,
        %add3A_143 = arith.constant 1600 : i32
        %add3A_144 = arith.addi %mul3A_140, %add3A_143 : i32
        %get3A_145 = arith.index_cast %add3A_144 : i32 to index
        %get3A_146 = tpu.vector_load %arg5[%get3A_145] {strides = array<i32>} : memref<16000xf32, #tpu.memory_space<vmem>>, vector<16xf32>,
        %add3A_147 = arith.constant 3200 : i32
        %add3A_148 = arith.addi %mul3A_140, %add3A_147 : i32
        %get3A_149 = arith.index_cast %add3A_148 : i32 to index
        %get3A_150 = tpu.vector_load %arg5[%get3A_149] {strides = array<i32>} : memref<16000xf32, #tpu.memory_space<vmem>>, vector<16xf32>,
        %add3A_151 = arith.constant 4800 : i32
        %add3A_152 = arith.addi %mul3A_140, %add3A_151 : i32
        %get3A_153 = arith.index_cast %add3A_152 : i32 to index
        %get3A_154 = tpu.vector_load %arg5[%get3A_153] {strides = array<i32>} : memref<16000xf32, #tpu.memory_space<vmem>>, vector<16xf32>,
        %add3A_155 = arith.constant 100 : i32
        %add3A_156 = arith.addi %add3A_155, %scan3A_134 : i32
        %mul3A_157 = arith.constant 16 : i32
        %mul3A_158 = arith.muli %add3A_156, %mul3A_157 : i32
        %get3A_159 = arith.index_cast %mul3A_158 : i32 to index
        %get3A_160 = tpu.vector_load %arg6[%get3A_159] {strides = array<i32>} : memref<3200xf32, #tpu.memory_space<vmem>>, vector<16xf32>,
        %min3A = arith.minimumf %get3A_69, %get3A_150 : vector<16xf32>
        %max3A = arith.maximumf %get3A_61, %get3A_142 : vector<16xf32>
        %sub3A = arith.subf %min3A, %max3A : vector<16xf32>
        %max3A_161 = arith.constant 0.000000e+00 : f32
        %max3A_162 = vector.broadcast %max3A_161 : f32 to vector<16xf32>
        %max3A_163 = arith.maximumf %sub3A, %max3A_162 : vector<16xf32>
        %min3A_164 = arith.minimumf %get3A_73, %get3A_154 : vector<16xf32>
        %max3A_165 = arith.maximumf %get3A_65, %get3A_146 : vector<16xf32>
        %sub3A_166 = arith.subf %min3A_164, %max3A_165 : vector<16xf32>
        %max3A_167 = arith.constant 0.000000e+00 : f32
        %max3A_168 = vector.broadcast %max3A_167 : f32 to vector<16xf32>
        %max3A_169 = arith.maximumf %sub3A_166, %max3A_168 : vector<16xf32>
        %mul3A_170 = arith.mulf %max3A_163, %max3A_169 : vector<16xf32>
        %add3A_171 = arith.addf %get3A_77, %get3A_160 : vector<16xf32>
        %sub3A_172 = arith.subf %add3A_171, %mul3A_170 : vector<16xf32>
        %max3A_173 = arith.constant 9.99999993E-9 : f32
        %max3A_174 = vector.broadcast %max3A_173 : f32 to vector<16xf32>
        %max3A_175 = arith.maximumf %sub3A_172, %max3A_174 : vector<16xf32>
        %div3A = arith.divf %mul3A_170, %max3A_175 : vector<16xf32>
        %gt3A = arith.cmpf ogt, %div3A, %scan3A_135 : vector<16xf32>
        %select_n3A = arith.select %gt3A, %div3A, %scan3A_135 : vector<16xi1>, vector<16xf32>
        %broadcast_in_dim3A_176 = vector.broadcast %scan3A_134 : i32 to vector<16xi32>
        %select_n3A_177 = arith.select %gt3A, %broadcast_in_dim3A_176, %scan3A_136 : vector<16xi1>, vector<16xi32>
        scf.yield %select_n3A, %select_n3A_177 : vector<16xf32>, vector<16xi32>
      }
      %scan3A_86 = arith.constant 100 : i32
      %mul3A_87 = arith.constant 16 : i32
      %mul3A_88 = vector.broadcast %mul3A_87 : i32 to vector<16xi32>
      %mul3A_89 = arith.muli %scan3A_85#1, %mul3A_88 : vector<16xi32>
      %add3A_90 = arith.addi %mul3A_89, %iota3A : vector<16xi32>
      %add3A_91 = arith.constant 8000 : i32
      %add3A_92 = vector.broadcast %add3A_91 : i32 to vector<16xi32>
      %add3A_93 = arith.addi %add3A_90, %add3A_92 : vector<16xi32>
      %gather3A = tpu.vector_load_idx %arg5[%add3A_93] : memref<16000xf32, #tpu.memory_space<vmem>>[vector<16xi32>], vector<16xf32>,
      %add3A_94 = arith.constant 1536 : i32
      %add3A_95 = arith.addi %add3A_94, %mul3A_60 : i32
      %swap3A = arith.index_cast %add3A_95 : i32 to index
      %swap3A_96 = tpu.vector_load %arg8[%swap3A] {strides = array<i32>} : memref<18432xf32, #tpu.memory_space<vmem>>, vector<16xf32>,
      tpu.vector_store %arg8[%swap3A], %gather3A {strides = array<i32>} : memref<18432xf32, #tpu.memory_space<vmem>>, vector<16xf32>,
      %add3A_97 = arith.constant 9600 : i32
      %add3A_98 = vector.broadcast %add3A_97 : i32 to vector<16xi32>
      %add3A_99 = arith.addi %add3A_90, %add3A_98 : vector<16xi32>
      %gather3A_100 = tpu.vector_load_idx %arg5[%add3A_99] : memref<16000xf32, #tpu.memory_space<vmem>>[vector<16xi32>], vector<16xf32>,
      %add3A_101 = arith.constant 4608 : i32
      %add3A_102 = arith.addi %add3A_101, %mul3A_60 : i32
      %swap3A_103 = arith.index_cast %add3A_102 : i32 to index
      %swap3A_104 = tpu.vector_load %arg8[%swap3A_103] {strides = array<i32>} : memref<18432xf32, #tpu.memory_space<vmem>>, vector<16xf32>,
      tpu.vector_store %arg8[%swap3A_103], %gather3A_100 {strides = array<i32>} : memref<18432xf32, #tpu.memory_space<vmem>>, vector<16xf32>,
      %add3A_105 = arith.constant 11200 : i32
      %add3A_106 = vector.broadcast %add3A_105 : i32 to vector<16xi32>
      %add3A_107 = arith.addi %add3A_90, %add3A_106 : vector<16xi32>
      %gather3A_108 = tpu.vector_load_idx %arg5[%add3A_107] : memref<16000xf32, #tpu.memory_space<vmem>>[vector<16xi32>], vector<16xf32>,
      %add3A_109 = arith.constant 7680 : i32
      %add3A_110 = arith.addi %add3A_109, %mul3A_60 : i32
      %swap3A_111 = arith.index_cast %add3A_110 : i32 to index
      %swap3A_112 = tpu.vector_load %arg8[%swap3A_111] {strides = array<i32>} : memref<18432xf32, #tpu.memory_space<vmem>>, vector<16xf32>,
      tpu.vector_store %arg8[%swap3A_111], %gather3A_108 {strides = array<i32>} : memref<18432xf32, #tpu.memory_space<vmem>>, vector<16xf32>,
      %add3A_113 = arith.constant 12800 : i32
      %add3A_114 = vector.broadcast %add3A_113 : i32 to vector<16xi32>
      %add3A_115 = arith.addi %add3A_90, %add3A_114 : vector<16xi32>
      %gather3A_116 = tpu.vector_load_idx %arg5[%add3A_115] : memref<16000xf32, #tpu.memory_space<vmem>>[vector<16xi32>], vector<16xf32>,
      %add3A_117 = arith.constant 10752 : i32
      %add3A_118 = arith.addi %add3A_117, %mul3A_60 : i32
      %swap3A_119 = arith.index_cast %add3A_118 : i32 to index
      %swap3A_120 = tpu.vector_load %arg8[%swap3A_119] {strides = array<i32>} : memref<18432xf32, #tpu.memory_space<vmem>>, vector<16xf32>,
      tpu.vector_store %arg8[%swap3A_119], %gather3A_116 {strides = array<i32>} : memref<18432xf32, #tpu.memory_space<vmem>>, vector<16xf32>,
      %add3A_121 = arith.constant 14400 : i32
      %add3A_122 = vector.broadcast %add3A_121 : i32 to vector<16xi32>
      %add3A_123 = arith.addi %add3A_90, %add3A_122 : vector<16xi32>
      %gather3A_124 = tpu.vector_load_idx %arg5[%add3A_123] : memref<16000xf32, #tpu.memory_space<vmem>>[vector<16xi32>], vector<16xf32>,
      %add3A_125 = arith.constant 13824 : i32
      %add3A_126 = arith.addi %add3A_125, %mul3A_60 : i32
      %swap3A_127 = arith.index_cast %add3A_126 : i32 to index
      %swap3A_128 = tpu.vector_load %arg8[%swap3A_127] {strides = array<i32>} : memref<18432xf32, #tpu.memory_space<vmem>>, vector<16xf32>,
      tpu.vector_store %arg8[%swap3A_127], %gather3A_124 {strides = array<i32>} : memref<18432xf32, #tpu.memory_space<vmem>>, vector<16xf32>,
      %add3A_129 = arith.constant 16896 : i32
      %add3A_130 = arith.addi %add3A_129, %mul3A_60 : i32
      %swap3A_131 = arith.index_cast %add3A_130 : i32 to index
      %swap3A_132 = tpu.vector_load %arg8[%swap3A_131] {strides = array<i32>} : memref<18432xf32, #tpu.memory_space<vmem>>, vector<16xf32>,
      tpu.vector_store %arg8[%swap3A_131], %scan3A_85#0 {strides = array<i32>} : memref<18432xf32, #tpu.memory_space<vmem>>, vector<16xf32>,
      %scan3A_133 = arith.constant 0 : i32
      scf.yield %scan3A_133 : i32
    }
    %scan3A_32 = arith.constant 96 : i32
    %add3A_33 = arith.constant 0 : i32
    %add3A_34 = arith.addi %add3A_33, %mul3A_2 : i32
    "tpu.region"() ({
      %run_scoped3A = tpu.sem_alloc : memref<!tpu.dma_semaphore, #tpu.memory_space<semaphore_mem>>
      %dma_start3A = arith.constant 0 : i32
      %dma_start3A_57 = tpu.memref_slice %arg8[%dma_start3A] : memref<18432xf32, #tpu.memory_space<vmem>> -> memref<1536xf32, #tpu.memory_space<vmem>>
      %dma_start3A_58 = tpu.memref_slice %arg4[%add3A_34] : memref<589824xf32, #tpu.memory_space<hbm>> -> memref<1536xf32, #tpu.memory_space<hbm>>
      %dma_start3A_59 = tpu.memref_slice %arg4[%add3A_34] : memref<589824xf32, #tpu.memory_space<hbm>> -> memref<1536xf32, #tpu.memory_space<hbm>>
      %dma_start3A_60 = arith.constant 0 : i32
      %dma_start3A_61 = tpu.memref_slice %arg8[%dma_start3A_60] : memref<18432xf32, #tpu.memory_space<vmem>> -> memref<1536xf32, #tpu.memory_space<vmem>>
      tpu.enqueue_dma source(%dma_start3A_61 : memref<1536xf32, #tpu.memory_space<vmem>>) target(%dma_start3A_59 : memref<1536xf32, #tpu.memory_space<hbm>>) target_semaphore(%run_scoped3A : memref<!tpu.dma_semaphore, #tpu.memory_space<semaphore_mem>>)
      %dma_wait3A = arith.constant 0 : i32
      %dma_wait3A_62 = tpu.memref_slice %arg8[%dma_wait3A] : memref<18432xf32, #tpu.memory_space<vmem>> -> memref<1536xf32, #tpu.memory_space<vmem>>
      %dma_wait3A_63 = tpu.memref_slice %arg4[%add3A_34] : memref<589824xf32, #tpu.memory_space<hbm>> -> memref<1536xf32, #tpu.memory_space<hbm>>
      %dma_wait3A_64 = tpu.memref_slice %arg4[%add3A_34] : memref<589824xf32, #tpu.memory_space<hbm>> -> memref<1536xf32, #tpu.memory_space<hbm>>
      %dma_wait3A_65 = arith.constant 0 : i32
      %dma_wait3A_66 = tpu.memref_slice %arg8[%dma_wait3A_65] : memref<18432xf32, #tpu.memory_space<vmem>> -> memref<1536xf32, #tpu.memory_space<vmem>>
      tpu.wait_dma2 semaphore(%run_scoped3A : memref<!tpu.dma_semaphore, #tpu.memory_space<semaphore_mem>>) src(%dma_wait3A_66 : memref<1536xf32, #tpu.memory_space<vmem>>) dst(%dma_wait3A_64 : memref<1536xf32, #tpu.memory_space<hbm>>)
      tpu.yield
    }) : () -> ()
    %add3A_35 = arith.constant 49152 : i32
    %add3A_36 = arith.addi %add3A_35, %mul3A_2 : i32
    "tpu.region"() ({
      %run_scoped3A = tpu.sem_alloc : memref<!tpu.dma_semaphore, #tpu.memory_space<semaphore_mem>>
      %dma_start3A = arith.constant 1536 : i32
      %dma_start3A_57 = tpu.memref_slice %arg8[%dma_start3A] : memref<18432xf32, #tpu.memory_space<vmem>> -> memref<1536xf32, #tpu.memory_space<vmem>>
      %dma_start3A_58 = tpu.memref_slice %arg4[%add3A_36] : memref<589824xf32, #tpu.memory_space<hbm>> -> memref<1536xf32, #tpu.memory_space<hbm>>
      %dma_start3A_59 = tpu.memref_slice %arg4[%add3A_36] : memref<589824xf32, #tpu.memory_space<hbm>> -> memref<1536xf32, #tpu.memory_space<hbm>>
      %dma_start3A_60 = arith.constant 1536 : i32
      %dma_start3A_61 = tpu.memref_slice %arg8[%dma_start3A_60] : memref<18432xf32, #tpu.memory_space<vmem>> -> memref<1536xf32, #tpu.memory_space<vmem>>
      tpu.enqueue_dma source(%dma_start3A_61 : memref<1536xf32, #tpu.memory_space<vmem>>) target(%dma_start3A_59 : memref<1536xf32, #tpu.memory_space<hbm>>) target_semaphore(%run_scoped3A : memref<!tpu.dma_semaphore, #tpu.memory_space<semaphore_mem>>)
      %dma_wait3A = arith.constant 1536 : i32
      %dma_wait3A_62 = tpu.memref_slice %arg8[%dma_wait3A] : memref<18432xf32, #tpu.memory_space<vmem>> -> memref<1536xf32, #tpu.memory_space<vmem>>
      %dma_wait3A_63 = tpu.memref_slice %arg4[%add3A_36] : memref<589824xf32, #tpu.memory_space<hbm>> -> memref<1536xf32, #tpu.memory_space<hbm>>
      %dma_wait3A_64 = tpu.memref_slice %arg4[%add3A_36] : memref<589824xf32, #tpu.memory_space<hbm>> -> memref<1536xf32, #tpu.memory_space<hbm>>
      %dma_wait3A_65 = arith.constant 1536 : i32
      %dma_wait3A_66 = tpu.memref_slice %arg8[%dma_wait3A_65] : memref<18432xf32, #tpu.memory_space<vmem>> -> memref<1536xf32, #tpu.memory_space<vmem>>
      tpu.wait_dma2 semaphore(%run_scoped3A : memref<!tpu.dma_semaphore, #tpu.memory_space<semaphore_mem>>) src(%dma_wait3A_66 : memref<1536xf32, #tpu.memory_space<vmem>>) dst(%dma_wait3A_64 : memref<1536xf32, #tpu.memory_space<hbm>>)
      tpu.yield
    }) : () -> ()
    %add3A_37 = arith.constant 98304 : i32
    %add3A_38 = arith.addi %add3A_37, %mul3A_2 : i32
    "tpu.region"() ({
      %run_scoped3A = tpu.sem_alloc : memref<!tpu.dma_semaphore, #tpu.memory_space<semaphore_mem>>
      %dma_start3A = arith.constant 3072 : i32
      %dma_start3A_57 = tpu.memref_slice %arg8[%dma_start3A] : memref<18432xf32, #tpu.memory_space<vmem>> -> memref<1536xf32, #tpu.memory_space<vmem>>
      %dma_start3A_58 = tpu.memref_slice %arg4[%add3A_38] : memref<589824xf32, #tpu.memory_space<hbm>> -> memref<1536xf32, #tpu.memory_space<hbm>>
      %dma_start3A_59 = tpu.memref_slice %arg4[%add3A_38] : memref<589824xf32, #tpu.memory_space<hbm>> -> memref<1536xf32, #tpu.memory_space<hbm>>
      %dma_start3A_60 = arith.constant 3072 : i32
      %dma_start3A_61 = tpu.memref_slice %arg8[%dma_start3A_60] : memref<18432xf32, #tpu.memory_space<vmem>> -> memref<1536xf32, #tpu.memory_space<vmem>>
      tpu.enqueue_dma source(%dma_start3A_61 : memref<1536xf32, #tpu.memory_space<vmem>>) target(%dma_start3A_59 : memref<1536xf32, #tpu.memory_space<hbm>>) target_semaphore(%run_scoped3A : memref<!tpu.dma_semaphore, #tpu.memory_space<semaphore_mem>>)
      %dma_wait3A = arith.constant 3072 : i32
      %dma_wait3A_62 = tpu.memref_slice %arg8[%dma_wait3A] : memref<18432xf32, #tpu.memory_space<vmem>> -> memref<1536xf32, #tpu.memory_space<vmem>>
      %dma_wait3A_63 = tpu.memref_slice %arg4[%add3A_38] : memref<589824xf32, #tpu.memory_space<hbm>> -> memref<1536xf32, #tpu.memory_space<hbm>>
      %dma_wait3A_64 = tpu.memref_slice %arg4[%add3A_38] : memref<589824xf32, #tpu.memory_space<hbm>> -> memref<1536xf32, #tpu.memory_space<hbm>>
      %dma_wait3A_65 = arith.constant 3072 : i32
      %dma_wait3A_66 = tpu.memref_slice %arg8[%dma_wait3A_65] : memref<18432xf32, #tpu.memory_space<vmem>> -> memref<1536xf32, #tpu.memory_space<vmem>>
      tpu.wait_dma2 semaphore(%run_scoped3A : memref<!tpu.dma_semaphore, #tpu.memory_space<semaphore_mem>>) src(%dma_wait3A_66 : memref<1536xf32, #tpu.memory_space<vmem>>) dst(%dma_wait3A_64 : memref<1536xf32, #tpu.memory_space<hbm>>)
      tpu.yield
    }) : () -> ()
    %add3A_39 = arith.constant 147456 : i32
    %add3A_40 = arith.addi %add3A_39, %mul3A_2 : i32
    "tpu.region"() ({
      %run_scoped3A = tpu.sem_alloc : memref<!tpu.dma_semaphore, #tpu.memory_space<semaphore_mem>>
      %dma_start3A = arith.constant 4608 : i32
      %dma_start3A_57 = tpu.memref_slice %arg8[%dma_start3A] : memref<18432xf32, #tpu.memory_space<vmem>> -> memref<1536xf32, #tpu.memory_space<vmem>>
      %dma_start3A_58 = tpu.memref_slice %arg4[%add3A_40] : memref<589824xf32, #tpu.memory_space<hbm>> -> memref<1536xf32, #tpu.memory_space<hbm>>
      %dma_start3A_59 = tpu.memref_slice %arg4[%add3A_40] : memref<589824xf32, #tpu.memory_space<hbm>> -> memref<1536xf32, #tpu.memory_space<hbm>>
      %dma_start3A_60 = arith.constant 4608 : i32
      %dma_start3A_61 = tpu.memref_slice %arg8[%dma_start3A_60] : memref<18432xf32, #tpu.memory_space<vmem>> -> memref<1536xf32, #tpu.memory_space<vmem>>
      tpu.enqueue_dma source(%dma_start3A_61 : memref<1536xf32, #tpu.memory_space<vmem>>) target(%dma_start3A_59 : memref<1536xf32, #tpu.memory_space<hbm>>) target_semaphore(%run_scoped3A : memref<!tpu.dma_semaphore, #tpu.memory_space<semaphore_mem>>)
      %dma_wait3A = arith.constant 4608 : i32
      %dma_wait3A_62 = tpu.memref_slice %arg8[%dma_wait3A] : memref<18432xf32, #tpu.memory_space<vmem>> -> memref<1536xf32, #tpu.memory_space<vmem>>
      %dma_wait3A_63 = tpu.memref_slice %arg4[%add3A_40] : memref<589824xf32, #tpu.memory_space<hbm>> -> memref<1536xf32, #tpu.memory_space<hbm>>
      %dma_wait3A_64 = tpu.memref_slice %arg4[%add3A_40] : memref<589824xf32, #tpu.memory_space<hbm>> -> memref<1536xf32, #tpu.memory_space<hbm>>
      %dma_wait3A_65 = arith.constant 4608 : i32
      %dma_wait3A_66 = tpu.memref_slice %arg8[%dma_wait3A_65] : memref<18432xf32, #tpu.memory_space<vmem>> -> memref<1536xf32, #tpu.memory_space<vmem>>
      tpu.wait_dma2 semaphore(%run_scoped3A : memref<!tpu.dma_semaphore, #tpu.memory_space<semaphore_mem>>) src(%dma_wait3A_66 : memref<1536xf32, #tpu.memory_space<vmem>>) dst(%dma_wait3A_64 : memref<1536xf32, #tpu.memory_space<hbm>>)
      tpu.yield
    }) : () -> ()
    %add3A_41 = arith.constant 196608 : i32
    %add3A_42 = arith.addi %add3A_41, %mul3A_2 : i32
    "tpu.region"() ({
      %run_scoped3A = tpu.sem_alloc : memref<!tpu.dma_semaphore, #tpu.memory_space<semaphore_mem>>
      %dma_start3A = arith.constant 6144 : i32
      %dma_start3A_57 = tpu.memref_slice %arg8[%dma_start3A] : memref<18432xf32, #tpu.memory_space<vmem>> -> memref<1536xf32, #tpu.memory_space<vmem>>
      %dma_start3A_58 = tpu.memref_slice %arg4[%add3A_42] : memref<589824xf32, #tpu.memory_space<hbm>> -> memref<1536xf32, #tpu.memory_space<hbm>>
      %dma_start3A_59 = tpu.memref_slice %arg4[%add3A_42] : memref<589824xf32, #tpu.memory_space<hbm>> -> memref<1536xf32, #tpu.memory_space<hbm>>
      %dma_start3A_60 = arith.constant 6144 : i32
      %dma_start3A_61 = tpu.memref_slice %arg8[%dma_start3A_60] : memref<18432xf32, #tpu.memory_space<vmem>> -> memref<1536xf32, #tpu.memory_space<vmem>>
      tpu.enqueue_dma source(%dma_start3A_61 : memref<1536xf32, #tpu.memory_space<vmem>>) target(%dma_start3A_59 : memref<1536xf32, #tpu.memory_space<hbm>>) target_semaphore(%run_scoped3A : memref<!tpu.dma_semaphore, #tpu.memory_space<semaphore_mem>>)
      %dma_wait3A = arith.constant 6144 : i32
      %dma_wait3A_62 = tpu.memref_slice %arg8[%dma_wait3A] : memref<18432xf32, #tpu.memory_space<vmem>> -> memref<1536xf32, #tpu.memory_space<vmem>>
      %dma_wait3A_63 = tpu.memref_slice %arg4[%add3A_42] : memref<589824xf32, #tpu.memory_space<hbm>> -> memref<1536xf32, #tpu.memory_space<hbm>>
      %dma_wait3A_64 = tpu.memref_slice %arg4[%add3A_42] : memref<589824xf32, #tpu.memory_space<hbm>> -> memref<1536xf32, #tpu.memory_space<hbm>>
      %dma_wait3A_65 = arith.constant 6144 : i32
      %dma_wait3A_66 = tpu.memref_slice %arg8[%dma_wait3A_65] : memref<18432xf32, #tpu.memory_space<vmem>> -> memref<1536xf32, #tpu.memory_space<vmem>>
      tpu.wait_dma2 semaphore(%run_scoped3A : memref<!tpu.dma_semaphore, #tpu.memory_space<semaphore_mem>>) src(%dma_wait3A_66 : memref<1536xf32, #tpu.memory_space<vmem>>) dst(%dma_wait3A_64 : memref<1536xf32, #tpu.memory_space<hbm>>)
      tpu.yield
    }) : () -> ()
    %add3A_43 = arith.constant 245760 : i32
    %add3A_44 = arith.addi %add3A_43, %mul3A_2 : i32
    "tpu.region"() ({
      %run_scoped3A = tpu.sem_alloc : memref<!tpu.dma_semaphore, #tpu.memory_space<semaphore_mem>>
      %dma_start3A = arith.constant 7680 : i32
      %dma_start3A_57 = tpu.memref_slice %arg8[%dma_start3A] : memref<18432xf32, #tpu.memory_space<vmem>> -> memref<1536xf32, #tpu.memory_space<vmem>>
      %dma_start3A_58 = tpu.memref_slice %arg4[%add3A_44] : memref<589824xf32, #tpu.memory_space<hbm>> -> memref<1536xf32, #tpu.memory_space<hbm>>
      %dma_start3A_59 = tpu.memref_slice %arg4[%add3A_44] : memref<589824xf32, #tpu.memory_space<hbm>> -> memref<1536xf32, #tpu.memory_space<hbm>>
      %dma_start3A_60 = arith.constant 7680 : i32
      %dma_start3A_61 = tpu.memref_slice %arg8[%dma_start3A_60] : memref<18432xf32, #tpu.memory_space<vmem>> -> memref<1536xf32, #tpu.memory_space<vmem>>
      tpu.enqueue_dma source(%dma_start3A_61 : memref<1536xf32, #tpu.memory_space<vmem>>) target(%dma_start3A_59 : memref<1536xf32, #tpu.memory_space<hbm>>) target_semaphore(%run_scoped3A : memref<!tpu.dma_semaphore, #tpu.memory_space<semaphore_mem>>)
      %dma_wait3A = arith.constant 7680 : i32
      %dma_wait3A_62 = tpu.memref_slice %arg8[%dma_wait3A] : memref<18432xf32, #tpu.memory_space<vmem>> -> memref<1536xf32, #tpu.memory_space<vmem>>
      %dma_wait3A_63 = tpu.memref_slice %arg4[%add3A_44] : memref<589824xf32, #tpu.memory_space<hbm>> -> memref<1536xf32, #tpu.memory_space<hbm>>
      %dma_wait3A_64 = tpu.memref_slice %arg4[%add3A_44] : memref<589824xf32, #tpu.memory_space<hbm>> -> memref<1536xf32, #tpu.memory_space<hbm>>
      %dma_wait3A_65 = arith.constant 7680 : i32
      %dma_wait3A_66 = tpu.memref_slice %arg8[%dma_wait3A_65] : memref<18432xf32, #tpu.memory_space<vmem>> -> memref<1536xf32, #tpu.memory_space<vmem>>
      tpu.wait_dma2 semaphore(%run_scoped3A : memref<!tpu.dma_semaphore, #tpu.memory_space<semaphore_mem>>) src(%dma_wait3A_66 : memref<1536xf32, #tpu.memory_space<vmem>>) dst(%dma_wait3A_64 : memref<1536xf32, #tpu.memory_space<hbm>>)
      tpu.yield
    }) : () -> ()
    %add3A_45 = arith.constant 294912 : i32
    %add3A_46 = arith.addi %add3A_45, %mul3A_2 : i32
    "tpu.region"() ({
      %run_scoped3A = tpu.sem_alloc : memref<!tpu.dma_semaphore, #tpu.memory_space<semaphore_mem>>
      %dma_start3A = arith.constant 9216 : i32
      %dma_start3A_57 = tpu.memref_slice %arg8[%dma_start3A] : memref<18432xf32, #tpu.memory_space<vmem>> -> memref<1536xf32, #tpu.memory_space<vmem>>
      %dma_start3A_58 = tpu.memref_slice %arg4[%add3A_46] : memref<589824xf32, #tpu.memory_space<hbm>> -> memref<1536xf32, #tpu.memory_space<hbm>>
      %dma_start3A_59 = tpu.memref_slice %arg4[%add3A_46] : memref<589824xf32, #tpu.memory_space<hbm>> -> memref<1536xf32, #tpu.memory_space<hbm>>
      %dma_start3A_60 = arith.constant 9216 : i32
      %dma_start3A_61 = tpu.memref_slice %arg8[%dma_start3A_60] : memref<18432xf32, #tpu.memory_space<vmem>> -> memref<1536xf32, #tpu.memory_space<vmem>>
      tpu.enqueue_dma source(%dma_start3A_61 : memref<1536xf32, #tpu.memory_space<vmem>>) target(%dma_start3A_59 : memref<1536xf32, #tpu.memory_space<hbm>>) target_semaphore(%run_scoped3A : memref<!tpu.dma_semaphore, #tpu.memory_space<semaphore_mem>>)
      %dma_wait3A = arith.constant 9216 : i32
      %dma_wait3A_62 = tpu.memref_slice %arg8[%dma_wait3A] : memref<18432xf32, #tpu.memory_space<vmem>> -> memref<1536xf32, #tpu.memory_space<vmem>>
      %dma_wait3A_63 = tpu.memref_slice %arg4[%add3A_46] : memref<589824xf32, #tpu.memory_space<hbm>> -> memref<1536xf32, #tpu.memory_space<hbm>>
      %dma_wait3A_64 = tpu.memref_slice %arg4[%add3A_46] : memref<589824xf32, #tpu.memory_space<hbm>> -> memref<1536xf32, #tpu.memory_space<hbm>>
      %dma_wait3A_65 = arith.constant 9216 : i32
      %dma_wait3A_66 = tpu.memref_slice %arg8[%dma_wait3A_65] : memref<18432xf32, #tpu.memory_space<vmem>> -> memref<1536xf32, #tpu.memory_space<vmem>>
      tpu.wait_dma2 semaphore(%run_scoped3A : memref<!tpu.dma_semaphore, #tpu.memory_space<semaphore_mem>>) src(%dma_wait3A_66 : memref<1536xf32, #tpu.memory_space<vmem>>) dst(%dma_wait3A_64 : memref<1536xf32, #tpu.memory_space<hbm>>)
      tpu.yield
    }) : () -> ()
    %add3A_47 = arith.constant 344064 : i32
    %add3A_48 = arith.addi %add3A_47, %mul3A_2 : i32
    "tpu.region"() ({
      %run_scoped3A = tpu.sem_alloc : memref<!tpu.dma_semaphore, #tpu.memory_space<semaphore_mem>>
      %dma_start3A = arith.constant 10752 : i32
      %dma_start3A_57 = tpu.memref_slice %arg8[%dma_start3A] : memref<18432xf32, #tpu.memory_space<vmem>> -> memref<1536xf32, #tpu.memory_space<vmem>>
      %dma_start3A_58 = tpu.memref_slice %arg4[%add3A_48] : memref<589824xf32, #tpu.memory_space<hbm>> -> memref<1536xf32, #tpu.memory_space<hbm>>
      %dma_start3A_59 = tpu.memref_slice %arg4[%add3A_48] : memref<589824xf32, #tpu.memory_space<hbm>> -> memref<1536xf32, #tpu.memory_space<hbm>>
      %dma_start3A_60 = arith.constant 10752 : i32
      %dma_start3A_61 = tpu.memref_slice %arg8[%dma_start3A_60] : memref<18432xf32, #tpu.memory_space<vmem>> -> memref<1536xf32, #tpu.memory_space<vmem>>
      tpu.enqueue_dma source(%dma_start3A_61 : memref<1536xf32, #tpu.memory_space<vmem>>) target(%dma_start3A_59 : memref<1536xf32, #tpu.memory_space<hbm>>) target_semaphore(%run_scoped3A : memref<!tpu.dma_semaphore, #tpu.memory_space<semaphore_mem>>)
      %dma_wait3A = arith.constant 10752 : i32
      %dma_wait3A_62 = tpu.memref_slice %arg8[%dma_wait3A] : memref<18432xf32, #tpu.memory_space<vmem>> -> memref<1536xf32, #tpu.memory_space<vmem>>
      %dma_wait3A_63 = tpu.memref_slice %arg4[%add3A_48] : memref<589824xf32, #tpu.memory_space<hbm>> -> memref<1536xf32, #tpu.memory_space<hbm>>
      %dma_wait3A_64 = tpu.memref_slice %arg4[%add3A_48] : memref<589824xf32, #tpu.memory_space<hbm>> -> memref<1536xf32, #tpu.memory_space<hbm>>
      %dma_wait3A_65 = arith.constant 10752 : i32
      %dma_wait3A_66 = tpu.memref_slice %arg8[%dma_wait3A_65] : memref<18432xf32, #tpu.memory_space<vmem>> -> memref<1536xf32, #tpu.memory_space<vmem>>
      tpu.wait_dma2 semaphore(%run_scoped3A : memref<!tpu.dma_semaphore, #tpu.memory_space<semaphore_mem>>) src(%dma_wait3A_66 : memref<1536xf32, #tpu.memory_space<vmem>>) dst(%dma_wait3A_64 : memref<1536xf32, #tpu.memory_space<hbm>>)
      tpu.yield
    }) : () -> ()
    %add3A_49 = arith.constant 393216 : i32
    %add3A_50 = arith.addi %add3A_49, %mul3A_2 : i32
    "tpu.region"() ({
      %run_scoped3A = tpu.sem_alloc : memref<!tpu.dma_semaphore, #tpu.memory_space<semaphore_mem>>
      %dma_start3A = arith.constant 12288 : i32
      %dma_start3A_57 = tpu.memref_slice %arg8[%dma_start3A] : memref<18432xf32, #tpu.memory_space<vmem>> -> memref<1536xf32, #tpu.memory_space<vmem>>
      %dma_start3A_58 = tpu.memref_slice %arg4[%add3A_50] : memref<589824xf32, #tpu.memory_space<hbm>> -> memref<1536xf32, #tpu.memory_space<hbm>>
      %dma_start3A_59 = tpu.memref_slice %arg4[%add3A_50] : memref<589824xf32, #tpu.memory_space<hbm>> -> memref<1536xf32, #tpu.memory_space<hbm>>
      %dma_start3A_60 = arith.constant 12288 : i32
      %dma_start3A_61 = tpu.memref_slice %arg8[%dma_start3A_60] : memref<18432xf32, #tpu.memory_space<vmem>> -> memref<1536xf32, #tpu.memory_space<vmem>>
      tpu.enqueue_dma source(%dma_start3A_61 : memref<1536xf32, #tpu.memory_space<vmem>>) target(%dma_start3A_59 : memref<1536xf32, #tpu.memory_space<hbm>>) target_semaphore(%run_scoped3A : memref<!tpu.dma_semaphore, #tpu.memory_space<semaphore_mem>>)
      %dma_wait3A = arith.constant 12288 : i32
      %dma_wait3A_62 = tpu.memref_slice %arg8[%dma_wait3A] : memref<18432xf32, #tpu.memory_space<vmem>> -> memref<1536xf32, #tpu.memory_space<vmem>>
      %dma_wait3A_63 = tpu.memref_slice %arg4[%add3A_50] : memref<589824xf32, #tpu.memory_space<hbm>> -> memref<1536xf32, #tpu.memory_space<hbm>>
      %dma_wait3A_64 = tpu.memref_slice %arg4[%add3A_50] : memref<589824xf32, #tpu.memory_space<hbm>> -> memref<1536xf32, #tpu.memory_space<hbm>>
      %dma_wait3A_65 = arith.constant 12288 : i32
      %dma_wait3A_66 = tpu.memref_slice %arg8[%dma_wait3A_65] : memref<18432xf32, #tpu.memory_space<vmem>> -> memref<1536xf32, #tpu.memory_space<vmem>>
      tpu.wait_dma2 semaphore(%run_scoped3A : memref<!tpu.dma_semaphore, #tpu.memory_space<semaphore_mem>>) src(%dma_wait3A_66 : memref<1536xf32, #tpu.memory_space<vmem>>) dst(%dma_wait3A_64 : memref<1536xf32, #tpu.memory_space<hbm>>)
      tpu.yield
    }) : () -> ()
    %add3A_51 = arith.constant 442368 : i32
    %add3A_52 = arith.addi %add3A_51, %mul3A_2 : i32
    "tpu.region"() ({
      %run_scoped3A = tpu.sem_alloc : memref<!tpu.dma_semaphore, #tpu.memory_space<semaphore_mem>>
      %dma_start3A = arith.constant 13824 : i32
      %dma_start3A_57 = tpu.memref_slice %arg8[%dma_start3A] : memref<18432xf32, #tpu.memory_space<vmem>> -> memref<1536xf32, #tpu.memory_space<vmem>>
      %dma_start3A_58 = tpu.memref_slice %arg4[%add3A_52] : memref<589824xf32, #tpu.memory_space<hbm>> -> memref<1536xf32, #tpu.memory_space<hbm>>
      %dma_start3A_59 = tpu.memref_slice %arg4[%add3A_52] : memref<589824xf32, #tpu.memory_space<hbm>> -> memref<1536xf32, #tpu.memory_space<hbm>>
      %dma_start3A_60 = arith.constant 13824 : i32
      %dma_start3A_61 = tpu.memref_slice %arg8[%dma_start3A_60] : memref<18432xf32, #tpu.memory_space<vmem>> -> memref<1536xf32, #tpu.memory_space<vmem>>
      tpu.enqueue_dma source(%dma_start3A_61 : memref<1536xf32, #tpu.memory_space<vmem>>) target(%dma_start3A_59 : memref<1536xf32, #tpu.memory_space<hbm>>) target_semaphore(%run_scoped3A : memref<!tpu.dma_semaphore, #tpu.memory_space<semaphore_mem>>)
      %dma_wait3A = arith.constant 13824 : i32
      %dma_wait3A_62 = tpu.memref_slice %arg8[%dma_wait3A] : memref<18432xf32, #tpu.memory_space<vmem>> -> memref<1536xf32, #tpu.memory_space<vmem>>
      %dma_wait3A_63 = tpu.memref_slice %arg4[%add3A_52] : memref<589824xf32, #tpu.memory_space<hbm>> -> memref<1536xf32, #tpu.memory_space<hbm>>
      %dma_wait3A_64 = tpu.memref_slice %arg4[%add3A_52] : memref<589824xf32, #tpu.memory_space<hbm>> -> memref<1536xf32, #tpu.memory_space<hbm>>
      %dma_wait3A_65 = arith.constant 13824 : i32
      %dma_wait3A_66 = tpu.memref_slice %arg8[%dma_wait3A_65] : memref<18432xf32, #tpu.memory_space<vmem>> -> memref<1536xf32, #tpu.memory_space<vmem>>
      tpu.wait_dma2 semaphore(%run_scoped3A : memref<!tpu.dma_semaphore, #tpu.memory_space<semaphore_mem>>) src(%dma_wait3A_66 : memref<1536xf32, #tpu.memory_space<vmem>>) dst(%dma_wait3A_64 : memref<1536xf32, #tpu.memory_space<hbm>>)
      tpu.yield
    }) : () -> ()
    %add3A_53 = arith.constant 491520 : i32
    %add3A_54 = arith.addi %add3A_53, %mul3A_2 : i32
    "tpu.region"() ({
      %run_scoped3A = tpu.sem_alloc : memref<!tpu.dma_semaphore, #tpu.memory_space<semaphore_mem>>
      %dma_start3A = arith.constant 15360 : i32
      %dma_start3A_57 = tpu.memref_slice %arg8[%dma_start3A] : memref<18432xf32, #tpu.memory_space<vmem>> -> memref<1536xf32, #tpu.memory_space<vmem>>
      %dma_start3A_58 = tpu.memref_slice %arg4[%add3A_54] : memref<589824xf32, #tpu.memory_space<hbm>> -> memref<1536xf32, #tpu.memory_space<hbm>>
      %dma_start3A_59 = tpu.memref_slice %arg4[%add3A_54] : memref<589824xf32, #tpu.memory_space<hbm>> -> memref<1536xf32, #tpu.memory_space<hbm>>
      %dma_start3A_60 = arith.constant 15360 : i32
      %dma_start3A_61 = tpu.memref_slice %arg8[%dma_start3A_60] : memref<18432xf32, #tpu.memory_space<vmem>> -> memref<1536xf32, #tpu.memory_space<vmem>>
      tpu.enqueue_dma source(%dma_start3A_61 : memref<1536xf32, #tpu.memory_space<vmem>>) target(%dma_start3A_59 : memref<1536xf32, #tpu.memory_space<hbm>>) target_semaphore(%run_scoped3A : memref<!tpu.dma_semaphore, #tpu.memory_space<semaphore_mem>>)
      %dma_wait3A = arith.constant 15360 : i32
      %dma_wait3A_62 = tpu.memref_slice %arg8[%dma_wait3A] : memref<18432xf32, #tpu.memory_space<vmem>> -> memref<1536xf32, #tpu.memory_space<vmem>>
      %dma_wait3A_63 = tpu.memref_slice %arg4[%add3A_54] : memref<589824xf32, #tpu.memory_space<hbm>> -> memref<1536xf32, #tpu.memory_space<hbm>>
      %dma_wait3A_64 = tpu.memref_slice %arg4[%add3A_54] : memref<589824xf32, #tpu.memory_space<hbm>> -> memref<1536xf32, #tpu.memory_space<hbm>>
      %dma_wait3A_65 = arith.constant 15360 : i32
      %dma_wait3A_66 = tpu.memref_slice %arg8[%dma_wait3A_65] : memref<18432xf32, #tpu.memory_space<vmem>> -> memref<1536xf32, #tpu.memory_space<vmem>>
      tpu.wait_dma2 semaphore(%run_scoped3A : memref<!tpu.dma_semaphore, #tpu.memory_space<semaphore_mem>>) src(%dma_wait3A_66 : memref<1536xf32, #tpu.memory_space<vmem>>) dst(%dma_wait3A_64 : memref<1536xf32, #tpu.memory_space<hbm>>)
      tpu.yield
    }) : () -> ()
    %add3A_55 = arith.constant 540672 : i32
    %add3A_56 = arith.addi %add3A_55, %mul3A_2 : i32
    "tpu.region"() ({
      %run_scoped3A = tpu.sem_alloc : memref<!tpu.dma_semaphore, #tpu.memory_space<semaphore_mem>>
      %dma_start3A = arith.constant 16896 : i32
      %dma_start3A_57 = tpu.memref_slice %arg8[%dma_start3A] : memref<18432xf32, #tpu.memory_space<vmem>> -> memref<1536xf32, #tpu.memory_space<vmem>>
      %dma_start3A_58 = tpu.memref_slice %arg4[%add3A_56] : memref<589824xf32, #tpu.memory_space<hbm>> -> memref<1536xf32, #tpu.memory_space<hbm>>
      %dma_start3A_59 = tpu.memref_slice %arg4[%add3A_56] : memref<589824xf32, #tpu.memory_space<hbm>> -> memref<1536xf32, #tpu.memory_space<hbm>>
      %dma_start3A_60 = arith.constant 16896 : i32
      %dma_start3A_61 = tpu.memref_slice %arg8[%dma_start3A_60] : memref<18432xf32, #tpu.memory_space<vmem>> -> memref<1536xf32, #tpu.memory_space<vmem>>
      tpu.enqueue_dma source(%dma_start3A_61 : memref<1536xf32, #tpu.memory_space<vmem>>) target(%dma_start3A_59 : memref<1536xf32, #tpu.memory_space<hbm>>) target_semaphore(%run_scoped3A : memref<!tpu.dma_semaphore, #tpu.memory_space<semaphore_mem>>)
      %dma_wait3A = arith.constant 16896 : i32
      %dma_wait3A_62 = tpu.memref_slice %arg8[%dma_wait3A] : memref<18432xf32, #tpu.memory_space<vmem>> -> memref<1536xf32, #tpu.memory_space<vmem>>
      %dma_wait3A_63 = tpu.memref_slice %arg4[%add3A_56] : memref<589824xf32, #tpu.memory_space<hbm>> -> memref<1536xf32, #tpu.memory_space<hbm>>
      %dma_wait3A_64 = tpu.memref_slice %arg4[%add3A_56] : memref<589824xf32, #tpu.memory_space<hbm>> -> memref<1536xf32, #tpu.memory_space<hbm>>
      %dma_wait3A_65 = arith.constant 16896 : i32
      %dma_wait3A_66 = tpu.memref_slice %arg8[%dma_wait3A_65] : memref<18432xf32, #tpu.memory_space<vmem>> -> memref<1536xf32, #tpu.memory_space<vmem>>
      tpu.wait_dma2 semaphore(%run_scoped3A : memref<!tpu.dma_semaphore, #tpu.memory_space<semaphore_mem>>) src(%dma_wait3A_66 : memref<1536xf32, #tpu.memory_space<vmem>>) dst(%dma_wait3A_64 : memref<1536xf32, #tpu.memory_space<hbm>>)
      tpu.yield
    }) : () -> ()
    return
  }
}

module attributes {stable_mosaic.version = 14 : i64} {
  func.func @_tc_encode_body(%arg0: memref<6x2x384x128xf32, #tpu.memory_space<vmem>>, %arg1: memref<4x384x128xf32, #tpu.memory_space<vmem>>, %arg2: memref<2x4x384x128xf32, #tpu.memory_space<vmem>>, %arg3: memref<2x384x128xf32, #tpu.memory_space<vmem>>) attributes {dimension_semantics = [], scalar_prefetch = 0 : i64, scratch_operands = 0 : i64, tpu.core_type = #tpu.core_type<tc>} {
    %get3A = arith.constant 0 : index
    %get3A_0 = arith.constant 0 : index
    %get3A_1 = arith.constant 0 : index
    %get3A_2 = vector.load %arg1[%get3A, %get3A_0, %get3A_1] : memref<4x384x128xf32, #tpu.memory_space<vmem>>, vector<1x384x128xf32>
    %get3A_3 = vector.shape_cast %get3A_2 : vector<1x384x128xf32> to vector<384x128xf32>
    %get3A_4 = arith.constant 1 : index
    %get3A_5 = arith.constant 0 : index
    %get3A_6 = arith.constant 0 : index
    %get3A_7 = vector.load %arg1[%get3A_4, %get3A_5, %get3A_6] : memref<4x384x128xf32, #tpu.memory_space<vmem>>, vector<1x384x128xf32>
    %get3A_8 = vector.shape_cast %get3A_7 : vector<1x384x128xf32> to vector<384x128xf32>
    %get3A_9 = arith.constant 2 : index
    %get3A_10 = arith.constant 0 : index
    %get3A_11 = arith.constant 0 : index
    %get3A_12 = vector.load %arg1[%get3A_9, %get3A_10, %get3A_11] : memref<4x384x128xf32, #tpu.memory_space<vmem>>, vector<1x384x128xf32>
    %get3A_13 = vector.shape_cast %get3A_12 : vector<1x384x128xf32> to vector<384x128xf32>
    %get3A_14 = arith.constant 3 : index
    %get3A_15 = arith.constant 0 : index
    %get3A_16 = arith.constant 0 : index
    %get3A_17 = vector.load %arg1[%get3A_14, %get3A_15, %get3A_16] : memref<4x384x128xf32, #tpu.memory_space<vmem>>, vector<1x384x128xf32>
    %get3A_18 = vector.shape_cast %get3A_17 : vector<1x384x128xf32> to vector<384x128xf32>
    %get3A_19 = arith.constant 0 : index
    %get3A_20 = arith.constant 0 : index
    %get3A_21 = arith.constant 0 : index
    %get3A_22 = arith.constant 0 : index
    %get3A_23 = vector.load %arg0[%get3A_19, %get3A_20, %get3A_21, %get3A_22] : memref<6x2x384x128xf32, #tpu.memory_space<vmem>>, vector<1x1x384x128xf32>
    %get3A_24 = vector.shape_cast %get3A_23 : vector<1x1x384x128xf32> to vector<384x128xf32>
    %get3A_25 = arith.constant 1 : index
    %get3A_26 = arith.constant 0 : index
    %get3A_27 = arith.constant 0 : index
    %get3A_28 = arith.constant 0 : index
    %get3A_29 = vector.load %arg0[%get3A_25, %get3A_26, %get3A_27, %get3A_28] : memref<6x2x384x128xf32, #tpu.memory_space<vmem>>, vector<1x1x384x128xf32>
    %get3A_30 = vector.shape_cast %get3A_29 : vector<1x1x384x128xf32> to vector<384x128xf32>
    %get3A_31 = arith.constant 2 : index
    %get3A_32 = arith.constant 0 : index
    %get3A_33 = arith.constant 0 : index
    %get3A_34 = arith.constant 0 : index
    %get3A_35 = vector.load %arg0[%get3A_31, %get3A_32, %get3A_33, %get3A_34] : memref<6x2x384x128xf32, #tpu.memory_space<vmem>>, vector<1x1x384x128xf32>
    %get3A_36 = vector.shape_cast %get3A_35 : vector<1x1x384x128xf32> to vector<384x128xf32>
    %get3A_37 = arith.constant 3 : index
    %get3A_38 = arith.constant 0 : index
    %get3A_39 = arith.constant 0 : index
    %get3A_40 = arith.constant 0 : index
    %get3A_41 = vector.load %arg0[%get3A_37, %get3A_38, %get3A_39, %get3A_40] : memref<6x2x384x128xf32, #tpu.memory_space<vmem>>, vector<1x1x384x128xf32>
    %get3A_42 = vector.shape_cast %get3A_41 : vector<1x1x384x128xf32> to vector<384x128xf32>
    %get3A_43 = arith.constant 4 : index
    %get3A_44 = arith.constant 0 : index
    %get3A_45 = arith.constant 0 : index
    %get3A_46 = arith.constant 0 : index
    %get3A_47 = vector.load %arg0[%get3A_43, %get3A_44, %get3A_45, %get3A_46] : memref<6x2x384x128xf32, #tpu.memory_space<vmem>>, vector<1x1x384x128xf32>
    %get3A_48 = vector.shape_cast %get3A_47 : vector<1x1x384x128xf32> to vector<384x128xf32>
    %get3A_49 = arith.constant 5 : index
    %get3A_50 = arith.constant 0 : index
    %get3A_51 = arith.constant 0 : index
    %get3A_52 = arith.constant 0 : index
    %get3A_53 = vector.load %arg0[%get3A_49, %get3A_50, %get3A_51, %get3A_52] : memref<6x2x384x128xf32, #tpu.memory_space<vmem>>, vector<1x1x384x128xf32>
    %get3A_54 = vector.shape_cast %get3A_53 : vector<1x1x384x128xf32> to vector<384x128xf32>
    %sub3A = arith.subf %get3A_36, %get3A_24 : vector<384x128xf32>
    %sub3A_55 = arith.subf %get3A_42, %get3A_30 : vector<384x128xf32>
    %mul3A = arith.constant 5.000000e-01 : f32
    %mul3A_56 = vector.broadcast %mul3A : f32 to vector<384x128xf32>
    %mul3A_57 = arith.mulf %mul3A_56, %sub3A : vector<384x128xf32>
    %add3A = arith.addf %get3A_24, %mul3A_57 : vector<384x128xf32>
    %mul3A_58 = arith.constant 5.000000e-01 : f32
    %mul3A_59 = vector.broadcast %mul3A_58 : f32 to vector<384x128xf32>
    %mul3A_60 = arith.mulf %mul3A_59, %sub3A_55 : vector<384x128xf32>
    %add3A_61 = arith.addf %get3A_30, %mul3A_60 : vector<384x128xf32>
    %sub3A_62 = arith.subf %add3A_61, %get3A_3 : vector<384x128xf32>
    %div3A = arith.divf %sub3A_62, %get3A_13 : vector<384x128xf32>
    %div3A_63 = arith.constant 1.000000e-01 : f32
    %div3A_64 = vector.broadcast %div3A_63 : f32 to vector<384x128xf32>
    %div3A_65 = arith.divf %div3A, %div3A_64 : vector<384x128xf32>
    %sub3A_66 = arith.subf %add3A, %get3A_8 : vector<384x128xf32>
    %div3A_67 = arith.divf %sub3A_66, %get3A_18 : vector<384x128xf32>
    %div3A_68 = arith.constant 1.000000e-01 : f32
    %div3A_69 = vector.broadcast %div3A_68 : f32 to vector<384x128xf32>
    %div3A_70 = arith.divf %div3A_67, %div3A_69 : vector<384x128xf32>
    %div3A_71 = arith.divf %sub3A_55, %get3A_13 : vector<384x128xf32>
    %log3A = math.log %div3A_71 : vector<384x128xf32>
    %div3A_72 = arith.constant 2.000000e-01 : f32
    %div3A_73 = vector.broadcast %div3A_72 : f32 to vector<384x128xf32>
    %div3A_74 = arith.divf %log3A, %div3A_73 : vector<384x128xf32>
    %div3A_75 = arith.divf %sub3A, %get3A_18 : vector<384x128xf32>
    %log3A_76 = math.log %div3A_75 : vector<384x128xf32>
    %div3A_77 = arith.constant 2.000000e-01 : f32
    %div3A_78 = vector.broadcast %div3A_77 : f32 to vector<384x128xf32>
    %div3A_79 = arith.divf %log3A_76, %div3A_78 : vector<384x128xf32>
    %ge3A = arith.constant 5.000000e-01 : f32
    %ge3A_80 = vector.broadcast %ge3A : f32 to vector<384x128xf32>
    %ge3A_81 = arith.cmpf oge, %get3A_54, %ge3A_80 : vector<384x128xf32>
    %lt3A = arith.constant 4.000000e-01 : f32
    %lt3A_82 = vector.broadcast %lt3A : f32 to vector<384x128xf32>
    %lt3A_83 = arith.cmpf olt, %get3A_54, %lt3A_82 : vector<384x128xf32>
    %jit3A = arith.constant 0.000000e+00 : f32
    %broadcast_in_dim3A = vector.broadcast %jit3A : f32 to vector<384x128xf32>
    %select_n3A = arith.select %ge3A_81, %div3A_65, %broadcast_in_dim3A : vector<384x128xi1>, vector<384x128xf32>
    %swap3A = arith.constant 0 : index
    %swap3A_84 = arith.constant 0 : index
    %swap3A_85 = arith.constant 0 : index
    %swap3A_86 = arith.constant 0 : index
    %swap3A_87 = vector.load %arg2[%swap3A, %swap3A_84, %swap3A_85, %swap3A_86] : memref<2x4x384x128xf32, #tpu.memory_space<vmem>>, vector<1x1x384x128xf32>
    %swap3A_88 = vector.shape_cast %swap3A_87 : vector<1x1x384x128xf32> to vector<384x128xf32>
    %swap3A_89 = vector.shape_cast %select_n3A : vector<384x128xf32> to vector<1x1x384x128xf32>
    tpu.vector_store %arg2[%swap3A, %swap3A_84, %swap3A_85, %swap3A_86], %swap3A_89 {strides = array<i32>} : memref<2x4x384x128xf32, #tpu.memory_space<vmem>>, vector<1x1x384x128xf32>,
    %jit3A_90 = arith.constant 0.000000e+00 : f32
    %broadcast_in_dim3A_91 = vector.broadcast %jit3A_90 : f32 to vector<384x128xf32>
    %select_n3A_92 = arith.select %ge3A_81, %div3A_70, %broadcast_in_dim3A_91 : vector<384x128xi1>, vector<384x128xf32>
    %swap3A_93 = arith.constant 0 : index
    %swap3A_94 = arith.constant 1 : index
    %swap3A_95 = arith.constant 0 : index
    %swap3A_96 = arith.constant 0 : index
    %swap3A_97 = vector.load %arg2[%swap3A_93, %swap3A_94, %swap3A_95, %swap3A_96] : memref<2x4x384x128xf32, #tpu.memory_space<vmem>>, vector<1x1x384x128xf32>
    %swap3A_98 = vector.shape_cast %swap3A_97 : vector<1x1x384x128xf32> to vector<384x128xf32>
    %swap3A_99 = vector.shape_cast %select_n3A_92 : vector<384x128xf32> to vector<1x1x384x128xf32>
    tpu.vector_store %arg2[%swap3A_93, %swap3A_94, %swap3A_95, %swap3A_96], %swap3A_99 {strides = array<i32>} : memref<2x4x384x128xf32, #tpu.memory_space<vmem>>, vector<1x1x384x128xf32>,
    %jit3A_100 = arith.constant 0.000000e+00 : f32
    %broadcast_in_dim3A_101 = vector.broadcast %jit3A_100 : f32 to vector<384x128xf32>
    %select_n3A_102 = arith.select %ge3A_81, %div3A_74, %broadcast_in_dim3A_101 : vector<384x128xi1>, vector<384x128xf32>
    %swap3A_103 = arith.constant 0 : index
    %swap3A_104 = arith.constant 2 : index
    %swap3A_105 = arith.constant 0 : index
    %swap3A_106 = arith.constant 0 : index
    %swap3A_107 = vector.load %arg2[%swap3A_103, %swap3A_104, %swap3A_105, %swap3A_106] : memref<2x4x384x128xf32, #tpu.memory_space<vmem>>, vector<1x1x384x128xf32>
    %swap3A_108 = vector.shape_cast %swap3A_107 : vector<1x1x384x128xf32> to vector<384x128xf32>
    %swap3A_109 = vector.shape_cast %select_n3A_102 : vector<384x128xf32> to vector<1x1x384x128xf32>
    tpu.vector_store %arg2[%swap3A_103, %swap3A_104, %swap3A_105, %swap3A_106], %swap3A_109 {strides = array<i32>} : memref<2x4x384x128xf32, #tpu.memory_space<vmem>>, vector<1x1x384x128xf32>,
    %jit3A_110 = arith.constant 0.000000e+00 : f32
    %broadcast_in_dim3A_111 = vector.broadcast %jit3A_110 : f32 to vector<384x128xf32>
    %select_n3A_112 = arith.select %ge3A_81, %div3A_79, %broadcast_in_dim3A_111 : vector<384x128xi1>, vector<384x128xf32>
    %swap3A_113 = arith.constant 0 : index
    %swap3A_114 = arith.constant 3 : index
    %swap3A_115 = arith.constant 0 : index
    %swap3A_116 = arith.constant 0 : index
    %swap3A_117 = vector.load %arg2[%swap3A_113, %swap3A_114, %swap3A_115, %swap3A_116] : memref<2x4x384x128xf32, #tpu.memory_space<vmem>>, vector<1x1x384x128xf32>
    %swap3A_118 = vector.shape_cast %swap3A_117 : vector<1x1x384x128xf32> to vector<384x128xf32>
    %swap3A_119 = vector.shape_cast %select_n3A_112 : vector<384x128xf32> to vector<1x1x384x128xf32>
    tpu.vector_store %arg2[%swap3A_113, %swap3A_114, %swap3A_115, %swap3A_116], %swap3A_119 {strides = array<i32>} : memref<2x4x384x128xf32, #tpu.memory_space<vmem>>, vector<1x1x384x128xf32>,
    %jit3A_120 = arith.constant -1.000000e+00 : f32
    %jit3A_121 = arith.constant -2.000000e+00 : f32
    %broadcast_in_dim3A_122 = vector.broadcast %jit3A_120 : f32 to vector<384x128xf32>
    %broadcast_in_dim3A_123 = vector.broadcast %jit3A_121 : f32 to vector<384x128xf32>
    %select_n3A_124 = arith.select %lt3A_83, %broadcast_in_dim3A_122, %broadcast_in_dim3A_123 : vector<384x128xi1>, vector<384x128xf32>
    %select_n3A_125 = arith.select %ge3A_81, %get3A_48, %select_n3A_124 : vector<384x128xi1>, vector<384x128xf32>
    %swap3A_126 = arith.constant 0 : index
    %swap3A_127 = arith.constant 0 : index
    %swap3A_128 = arith.constant 0 : index
    %swap3A_129 = vector.load %arg3[%swap3A_126, %swap3A_127, %swap3A_128] : memref<2x384x128xf32, #tpu.memory_space<vmem>>, vector<1x384x128xf32>
    %swap3A_130 = vector.shape_cast %swap3A_129 : vector<1x384x128xf32> to vector<384x128xf32>
    %swap3A_131 = vector.shape_cast %select_n3A_125 : vector<384x128xf32> to vector<1x384x128xf32>
    tpu.vector_store %arg3[%swap3A_126, %swap3A_127, %swap3A_128], %swap3A_131 {strides = array<i32>} : memref<2x384x128xf32, #tpu.memory_space<vmem>>, vector<1x384x128xf32>,
    %get3A_132 = arith.constant 0 : index
    %get3A_133 = arith.constant 1 : index
    %get3A_134 = arith.constant 0 : index
    %get3A_135 = arith.constant 0 : index
    %get3A_136 = vector.load %arg0[%get3A_132, %get3A_133, %get3A_134, %get3A_135] : memref<6x2x384x128xf32, #tpu.memory_space<vmem>>, vector<1x1x384x128xf32>
    %get3A_137 = vector.shape_cast %get3A_136 : vector<1x1x384x128xf32> to vector<384x128xf32>
    %get3A_138 = arith.constant 1 : index
    %get3A_139 = arith.constant 1 : index
    %get3A_140 = arith.constant 0 : index
    %get3A_141 = arith.constant 0 : index
    %get3A_142 = vector.load %arg0[%get3A_138, %get3A_139, %get3A_140, %get3A_141] : memref<6x2x384x128xf32, #tpu.memory_space<vmem>>, vector<1x1x384x128xf32>
    %get3A_143 = vector.shape_cast %get3A_142 : vector<1x1x384x128xf32> to vector<384x128xf32>
    %get3A_144 = arith.constant 2 : index
    %get3A_145 = arith.constant 1 : index
    %get3A_146 = arith.constant 0 : index
    %get3A_147 = arith.constant 0 : index
    %get3A_148 = vector.load %arg0[%get3A_144, %get3A_145, %get3A_146, %get3A_147] : memref<6x2x384x128xf32, #tpu.memory_space<vmem>>, vector<1x1x384x128xf32>
    %get3A_149 = vector.shape_cast %get3A_148 : vector<1x1x384x128xf32> to vector<384x128xf32>
    %get3A_150 = arith.constant 3 : index
    %get3A_151 = arith.constant 1 : index
    %get3A_152 = arith.constant 0 : index
    %get3A_153 = arith.constant 0 : index
    %get3A_154 = vector.load %arg0[%get3A_150, %get3A_151, %get3A_152, %get3A_153] : memref<6x2x384x128xf32, #tpu.memory_space<vmem>>, vector<1x1x384x128xf32>
    %get3A_155 = vector.shape_cast %get3A_154 : vector<1x1x384x128xf32> to vector<384x128xf32>
    %get3A_156 = arith.constant 4 : index
    %get3A_157 = arith.constant 1 : index
    %get3A_158 = arith.constant 0 : index
    %get3A_159 = arith.constant 0 : index
    %get3A_160 = vector.load %arg0[%get3A_156, %get3A_157, %get3A_158, %get3A_159] : memref<6x2x384x128xf32, #tpu.memory_space<vmem>>, vector<1x1x384x128xf32>
    %get3A_161 = vector.shape_cast %get3A_160 : vector<1x1x384x128xf32> to vector<384x128xf32>
    %get3A_162 = arith.constant 5 : index
    %get3A_163 = arith.constant 1 : index
    %get3A_164 = arith.constant 0 : index
    %get3A_165 = arith.constant 0 : index
    %get3A_166 = vector.load %arg0[%get3A_162, %get3A_163, %get3A_164, %get3A_165] : memref<6x2x384x128xf32, #tpu.memory_space<vmem>>, vector<1x1x384x128xf32>
    %get3A_167 = vector.shape_cast %get3A_166 : vector<1x1x384x128xf32> to vector<384x128xf32>
    %sub3A_168 = arith.subf %get3A_149, %get3A_137 : vector<384x128xf32>
    %sub3A_169 = arith.subf %get3A_155, %get3A_143 : vector<384x128xf32>
    %mul3A_170 = arith.constant 5.000000e-01 : f32
    %mul3A_171 = vector.broadcast %mul3A_170 : f32 to vector<384x128xf32>
    %mul3A_172 = arith.mulf %mul3A_171, %sub3A_168 : vector<384x128xf32>
    %add3A_173 = arith.addf %get3A_137, %mul3A_172 : vector<384x128xf32>
    %mul3A_174 = arith.constant 5.000000e-01 : f32
    %mul3A_175 = vector.broadcast %mul3A_174 : f32 to vector<384x128xf32>
    %mul3A_176 = arith.mulf %mul3A_175, %sub3A_169 : vector<384x128xf32>
    %add3A_177 = arith.addf %get3A_143, %mul3A_176 : vector<384x128xf32>
    %sub3A_178 = arith.subf %add3A_177, %get3A_3 : vector<384x128xf32>
    %div3A_179 = arith.divf %sub3A_178, %get3A_13 : vector<384x128xf32>
    %div3A_180 = arith.constant 1.000000e-01 : f32
    %div3A_181 = vector.broadcast %div3A_180 : f32 to vector<384x128xf32>
    %div3A_182 = arith.divf %div3A_179, %div3A_181 : vector<384x128xf32>
    %sub3A_183 = arith.subf %add3A_173, %get3A_8 : vector<384x128xf32>
    %div3A_184 = arith.divf %sub3A_183, %get3A_18 : vector<384x128xf32>
    %div3A_185 = arith.constant 1.000000e-01 : f32
    %div3A_186 = vector.broadcast %div3A_185 : f32 to vector<384x128xf32>
    %div3A_187 = arith.divf %div3A_184, %div3A_186 : vector<384x128xf32>
    %div3A_188 = arith.divf %sub3A_169, %get3A_13 : vector<384x128xf32>
    %log3A_189 = math.log %div3A_188 : vector<384x128xf32>
    %div3A_190 = arith.constant 2.000000e-01 : f32
    %div3A_191 = vector.broadcast %div3A_190 : f32 to vector<384x128xf32>
    %div3A_192 = arith.divf %log3A_189, %div3A_191 : vector<384x128xf32>
    %div3A_193 = arith.divf %sub3A_168, %get3A_18 : vector<384x128xf32>
    %log3A_194 = math.log %div3A_193 : vector<384x128xf32>
    %div3A_195 = arith.constant 2.000000e-01 : f32
    %div3A_196 = vector.broadcast %div3A_195 : f32 to vector<384x128xf32>
    %div3A_197 = arith.divf %log3A_194, %div3A_196 : vector<384x128xf32>
    %ge3A_198 = arith.constant 5.000000e-01 : f32
    %ge3A_199 = vector.broadcast %ge3A_198 : f32 to vector<384x128xf32>
    %ge3A_200 = arith.cmpf oge, %get3A_167, %ge3A_199 : vector<384x128xf32>
    %lt3A_201 = arith.constant 4.000000e-01 : f32
    %lt3A_202 = vector.broadcast %lt3A_201 : f32 to vector<384x128xf32>
    %lt3A_203 = arith.cmpf olt, %get3A_167, %lt3A_202 : vector<384x128xf32>
    %jit3A_204 = arith.constant 0.000000e+00 : f32
    %broadcast_in_dim3A_205 = vector.broadcast %jit3A_204 : f32 to vector<384x128xf32>
    %select_n3A_206 = arith.select %ge3A_200, %div3A_182, %broadcast_in_dim3A_205 : vector<384x128xi1>, vector<384x128xf32>
    %swap3A_207 = arith.constant 1 : index
    %swap3A_208 = arith.constant 0 : index
    %swap3A_209 = arith.constant 0 : index
    %swap3A_210 = arith.constant 0 : index
    %swap3A_211 = vector.load %arg2[%swap3A_207, %swap3A_208, %swap3A_209, %swap3A_210] : memref<2x4x384x128xf32, #tpu.memory_space<vmem>>, vector<1x1x384x128xf32>
    %swap3A_212 = vector.shape_cast %swap3A_211 : vector<1x1x384x128xf32> to vector<384x128xf32>
    %swap3A_213 = vector.shape_cast %select_n3A_206 : vector<384x128xf32> to vector<1x1x384x128xf32>
    tpu.vector_store %arg2[%swap3A_207, %swap3A_208, %swap3A_209, %swap3A_210], %swap3A_213 {strides = array<i32>} : memref<2x4x384x128xf32, #tpu.memory_space<vmem>>, vector<1x1x384x128xf32>,
    %jit3A_214 = arith.constant 0.000000e+00 : f32
    %broadcast_in_dim3A_215 = vector.broadcast %jit3A_214 : f32 to vector<384x128xf32>
    %select_n3A_216 = arith.select %ge3A_200, %div3A_187, %broadcast_in_dim3A_215 : vector<384x128xi1>, vector<384x128xf32>
    %swap3A_217 = arith.constant 1 : index
    %swap3A_218 = arith.constant 1 : index
    %swap3A_219 = arith.constant 0 : index
    %swap3A_220 = arith.constant 0 : index
    %swap3A_221 = vector.load %arg2[%swap3A_217, %swap3A_218, %swap3A_219, %swap3A_220] : memref<2x4x384x128xf32, #tpu.memory_space<vmem>>, vector<1x1x384x128xf32>
    %swap3A_222 = vector.shape_cast %swap3A_221 : vector<1x1x384x128xf32> to vector<384x128xf32>
    %swap3A_223 = vector.shape_cast %select_n3A_216 : vector<384x128xf32> to vector<1x1x384x128xf32>
    tpu.vector_store %arg2[%swap3A_217, %swap3A_218, %swap3A_219, %swap3A_220], %swap3A_223 {strides = array<i32>} : memref<2x4x384x128xf32, #tpu.memory_space<vmem>>, vector<1x1x384x128xf32>,
    %jit3A_224 = arith.constant 0.000000e+00 : f32
    %broadcast_in_dim3A_225 = vector.broadcast %jit3A_224 : f32 to vector<384x128xf32>
    %select_n3A_226 = arith.select %ge3A_200, %div3A_192, %broadcast_in_dim3A_225 : vector<384x128xi1>, vector<384x128xf32>
    %swap3A_227 = arith.constant 1 : index
    %swap3A_228 = arith.constant 2 : index
    %swap3A_229 = arith.constant 0 : index
    %swap3A_230 = arith.constant 0 : index
    %swap3A_231 = vector.load %arg2[%swap3A_227, %swap3A_228, %swap3A_229, %swap3A_230] : memref<2x4x384x128xf32, #tpu.memory_space<vmem>>, vector<1x1x384x128xf32>
    %swap3A_232 = vector.shape_cast %swap3A_231 : vector<1x1x384x128xf32> to vector<384x128xf32>
    %swap3A_233 = vector.shape_cast %select_n3A_226 : vector<384x128xf32> to vector<1x1x384x128xf32>
    tpu.vector_store %arg2[%swap3A_227, %swap3A_228, %swap3A_229, %swap3A_230], %swap3A_233 {strides = array<i32>} : memref<2x4x384x128xf32, #tpu.memory_space<vmem>>, vector<1x1x384x128xf32>,
    %jit3A_234 = arith.constant 0.000000e+00 : f32
    %broadcast_in_dim3A_235 = vector.broadcast %jit3A_234 : f32 to vector<384x128xf32>
    %select_n3A_236 = arith.select %ge3A_200, %div3A_197, %broadcast_in_dim3A_235 : vector<384x128xi1>, vector<384x128xf32>
    %swap3A_237 = arith.constant 1 : index
    %swap3A_238 = arith.constant 3 : index
    %swap3A_239 = arith.constant 0 : index
    %swap3A_240 = arith.constant 0 : index
    %swap3A_241 = vector.load %arg2[%swap3A_237, %swap3A_238, %swap3A_239, %swap3A_240] : memref<2x4x384x128xf32, #tpu.memory_space<vmem>>, vector<1x1x384x128xf32>
    %swap3A_242 = vector.shape_cast %swap3A_241 : vector<1x1x384x128xf32> to vector<384x128xf32>
    %swap3A_243 = vector.shape_cast %select_n3A_236 : vector<384x128xf32> to vector<1x1x384x128xf32>
    tpu.vector_store %arg2[%swap3A_237, %swap3A_238, %swap3A_239, %swap3A_240], %swap3A_243 {strides = array<i32>} : memref<2x4x384x128xf32, #tpu.memory_space<vmem>>, vector<1x1x384x128xf32>,
    %jit3A_244 = arith.constant -1.000000e+00 : f32
    %jit3A_245 = arith.constant -2.000000e+00 : f32
    %broadcast_in_dim3A_246 = vector.broadcast %jit3A_244 : f32 to vector<384x128xf32>
    %broadcast_in_dim3A_247 = vector.broadcast %jit3A_245 : f32 to vector<384x128xf32>
    %select_n3A_248 = arith.select %lt3A_203, %broadcast_in_dim3A_246, %broadcast_in_dim3A_247 : vector<384x128xi1>, vector<384x128xf32>
    %select_n3A_249 = arith.select %ge3A_200, %get3A_161, %select_n3A_248 : vector<384x128xi1>, vector<384x128xf32>
    %swap3A_250 = arith.constant 1 : index
    %swap3A_251 = arith.constant 0 : index
    %swap3A_252 = arith.constant 0 : index
    %swap3A_253 = vector.load %arg3[%swap3A_250, %swap3A_251, %swap3A_252] : memref<2x384x128xf32, #tpu.memory_space<vmem>>, vector<1x384x128xf32>
    %swap3A_254 = vector.shape_cast %swap3A_253 : vector<1x384x128xf32> to vector<384x128xf32>
    %swap3A_255 = vector.shape_cast %select_n3A_249 : vector<384x128xf32> to vector<1x384x128xf32>
    tpu.vector_store %arg3[%swap3A_250, %swap3A_251, %swap3A_252], %swap3A_255 {strides = array<i32>} : memref<2x384x128xf32, #tpu.memory_space<vmem>>, vector<1x384x128xf32>,
    return
  }
}

</mosaic_0001>

<sc_bundles>
// kernel: kernel.4.cloned.1.call-start
scs
__scs_entry_jumppad:
0x0: {  	(pc) =	sbr.rel $0x88, $3  }
0x1: {  	(tag) =	ssettag $0x0;
	lr =	simm.s32 $0x1  }
0x2: {  	[smem:$0x3F9F] =	sst lr;
	_ =	strace $0xD0000000  }
0x3: {  	_ = 	snop  }
0x4: {  	_ = 	snop  }
0x5: {  	_ = 	snop  }
0x6: {  	_ = 	snop  }
0x7: {  	_ = 	snop  }
__scs_overlays_trampoline_lowered:
0x8: {  	[smem:$0x3FAE] =	sst s0  }
0x9: {  	[smem:$0x3FAF] =	sst s1  }
0xa: {  	[smem:$0x3FB0] =	sst s2  }
0xb: {  	[smem:$0x3FB1] =	sst s3  }
0xc: {  	[smem:$0x3FB2] =	sst s4  }
0xd: {  	[smem:$0x3FB3] =	sst s5  }
0xe: {  	[smem:$0x3FB4] =	sst s6  }
0xf: {  	[smem:$0x3FB5] =	sst s7  }
0x10: {  	[smem:$0x3FB6] =	sst s8  }
0x11: {  	[smem:$0x3FB7] =	sst s9;
	s0 =	simm.s32 @!p0 $0x0  }
0x12: {  	s1 =	sld [smem:$0x3F9D];
	s0 =	simm.s32 @p0 $0x1  }
0x13: {  	[smem:$0x3FB8] =	sst s0;
	s0 =	simm.s32 @!p1 $0x0  }
0x14: {  	s2 =	sld [smem:$0x3F9C];
	s0 =	simm.s32 @p1 $0x1  }
0x15: {  	[smem:$0x3FB9] =	sst s0;
	s0 =	simm.s32 @!p2 $0x0  }
0x16: {  	s3 =	sld [smem:$0x3FDB];
	s0 =	simm.s32 @p2 $0x1  }
0x17: {  	s4 =	simm.s32 $0x1BF5;
	[smem:$0x3FBB] =	sst s0  }
0x18: {  	s0 =	sld [smem:$0x3F9E];
	_ =	swait.ge [sflag:s4], $0x0  }
0x19: {  	s7 =	sld [smem:$0x3F9F]  }
0x1a: {  	s8 =	sadd.s32 $0xFFFFE003, lr  }
0x1b: {  	s9 =	sadd.s32 $0xFFFFFEF7, lr;
	s5 =	simm.s32 $0xFFFFFFFF;
	p2 =	slt.u32 s8, $0xFFFFF086  }
0x1c: {  	p1 =	slt.u32 s9, $0xF7A;
	s5 =	simm.s32 @!p2 $0x0  }
0x1d: {  	s5 =	simm.s32 @p1 $0x1;
	p0 =	seq.s32 s7, s2  }
0x1e: {  	s7 =	smul.u32 @!p0 $0xF7A, s2;
	p2 =	seq.s32 @!p0 s5, $0x0  }
0x1f: {  	s9 =	smul.u32 $0xF7A, s1;
	s8 =	simm.s32 @!p0 $0x1BF5;
	p2 =	por !p2, p0  }
0x20: {  	[sflag:s8] =	ssyncset.s32 @!p0 $0xFFFFF086;
	s6 =	sadd.s32 @!p0 s3, s7;
	s7 =	simm.s32 @!p0 $0x108  }
0x21: {  	s3 =	sadd.s32 s3, s9;
	s6 =	sadd.s32 @!p0 $0x88, s6;
	s7 =	simm.s32 @p2 $0x1082  }
0x22: {  	[simem:s7], [sflag:s8] =	dma.local @!p0 [hbm:s6], $0xF7A  }
0x23: {  	s9 =	sor.u32 $0xD0000000, s2;
	s6 =	simm.s32 $0x108;
	_ =	swait.ge @!p0 [sflag:s8], $0x0  }
0x24: {  	s3 =	sadd.s32 $0x88, s3;
	s6 =	simm.s32 @!p1 $0x1082;
	[sflag:s4] =	ssyncset.s32 $0xFFFFF086  }
0x25: {  	[simem:s6], [sflag:s4] =	dma.local [hbm:s3], $0xF7A  }
0x26: {  	[smem:$0x3F9F] =	sst s1;
	(tag) =	ssettag s2;
	_ =	strace s9  }
0x27: {  	s1 =	sld [smem:$0x3FAF]  }
0x28: {  	s2 =	sld [smem:$0x3FB0]  }
0x29: {  	s4 =	sld [smem:$0x3FB2]  }
0x2a: {  	p0 =	seq.s32 s5, $0x0;
	s5 =	sld [smem:$0x3FB3]  }
0x2b: {  	s6 =	sld [smem:$0x3FB4]  }
0x2c: {  	s7 =	sld [smem:$0x3FB5]  }
0x2d: {  	s3 =	simm.s32 $0x108;
	s8 =	sld [smem:$0x3FB6]  }
0x2e: {  	s3 =	simm.s32 @!p0 $0x1082;
	s9 =	sld [smem:$0x3FB7]  }
0x2f: {  	lr =	sadd.s32 s0, s3;
	s0 =	sld [smem:$0x3FAE]  }
0x30: {  	s3 =	sld [smem:$0x3FB1]  }
0x31: {  	[smem:$0x3FBA] =	sst s10  }
0x32: {  	s10 =	sld [smem:$0x3FB8];
	_ =	sdelay $0x3  }
0x33: {  	p0 =	seq.s32 s10, $0x1;
	s10 =	sld [smem:$0x3FBA];
	_ =	sdelay $0x3  }
0x34: {  	[smem:$0x3FBA] =	sst s10  }
0x35: {  	s10 =	sld [smem:$0x3FB9];
	_ =	sdelay $0x3  }
0x36: {  	p1 =	seq.s32 s10, $0x1;
	s10 =	sld [smem:$0x3FBA];
	_ =	sdelay $0x3  }
0x37: {  	[smem:$0x3FBA] =	sst s10  }
0x38: {  	s10 =	sld [smem:$0x3FBB]  }
0x39: {  	_ = 	snop;
	(pc) =	sbr.ind lr, $3  }
0x3a: {  	_ = 	snop  }
0x3b: {  	_ = 	snop  }
0x3c: {  	p2 =	seq.s32 s10, $0x1;
	s10 =	sld [smem:$0x3FBA]  }
0x3d: {  	_ =	shalt  }
0x3e: {  	_ =	shalt  }
0x3f: {  	_ =	shalt  }
0x40: {  	_ =	shalt  }
0x41: {  	_ =	shalt  }
0x42: {  	_ =	shalt  }
0x43: {  	_ =	shalt  }
0x44: {  	_ =	shalt  }
0x45: {  	_ =	shalt  }
0x46: {  	_ =	shalt  }
0x47: {  	_ =	shalt  }
0x48: {  	_ =	shalt  }
0x49: {  	_ =	shalt  }
0x4a: {  	_ =	shalt  }
0x4b: {  	_ =	shalt  }
0x4c: {  	_ =	shalt  }
0x4d: {  	_ =	shalt  }
0x4e: {  	_ =	shalt  }
0x4f: {  	_ =	shalt  }
0x50: {  	_ =	shalt  }
0x51: {  	_ =	shalt  }
0x52: {  	_ =	shalt  }
0x53: {  	_ =	shalt  }
0x54: {  	_ =	shalt  }
0x55: {  	_ =	shalt  }
0x56: {  	_ =	shalt  }
0x57: {  	_ =	shalt  }
0x58: {  	_ =	shalt  }
0x59: {  	_ =	shalt  }
0x5a: {  	_ =	shalt  }
0x5b: {  	_ =	shalt  }
0x5c: {  	_ =	shalt  }
0x5d: {  	_ =	shalt  }
0x5e: {  	_ =	shalt  }
0x5f: {  	_ =	shalt  }
0x60: {  	_ =	shalt  }
0x61: {  	_ =	shalt  }
0x62: {  	_ =	shalt  }
0x63: {  	_ =	shalt  }
0x64: {  	_ =	shalt  }
0x65: {  	_ =	shalt  }
0x66: {  	_ =	shalt  }
0x67: {  	_ =	shalt  }
0x68: {  	_ =	shalt  }
0x69: {  	_ =	shalt  }
0x6a: {  	_ =	shalt  }
0x6b: {  	_ =	shalt  }
0x6c: {  	_ =	shalt  }
0x6d: {  	_ =	shalt  }
0x6e: {  	_ =	shalt  }
0x6f: {  	_ =	shalt  }
0x70: {  	_ =	shalt  }
0x71: {  	_ =	shalt  }
0x72: {  	_ =	shalt  }
0x73: {  	_ =	shalt  }
0x74: {  	_ =	shalt  }
0x75: {  	_ =	shalt  }
0x76: {  	_ =	shalt  }
0x77: {  	_ =	shalt  }
0x78: {  	_ =	shalt  }
0x79: {  	_ =	shalt  }
0x7a: {  	_ =	shalt  }
0x7b: {  	_ =	shalt  }
0x7c: {  	_ =	shalt  }
0x7d: {  	_ =	shalt  }
0x7e: {  	_ =	shalt  }
0x7f: {  	_ =	shalt  }
0x80: {  	_ =	shalt  }
0x81: {  	_ =	shalt  }
0x82: {  	_ =	shalt  }
0x83: {  	_ =	shalt  }
0x84: {  	_ =	shalt  }
0x85: {  	_ =	shalt  }
0x86: {  	_ =	shalt  }
0x87: {  	_ =	shalt  }
.Lfunc_end0:
.L_simem_size_0:
called_computation_lowered:
.L_overlay_start_0:
0x88: {  	s2 =	sld [smem:$0x3FD9]  }
0x89: {  	s3 =	sld [smem:$0x3FFE];
	_ =	sdelay $0x1  }
0x8a: {  	s1 =	srdreg.scid  }
0x8b: {  	s0 =	sand.u32 $0x1, s1  }
0x8c: {  	s14 =	sshll.u32 s0, $0xA;
	s2 =	sadd.s32 s3, s2  }
0x8d: {  	s2 =	sadd.s32 s2, s14  }
0x8e: {  	[smem:$0x3FC6] =	sst s2  }
0x8f: {  	_ = 	snop  }
0x90: {  	s2 =	sld [smem:$0x3FD0];
	_ =	sdelay $0x2  }
0x91: {  	s15 =	simm.s32 $0xA;
	s4 =	simm.s32 $0x10  }
0x92: {  	[smem:s4], [sflag:s15] =	dma.local [hbm:s2], $0x1  }
0x93: {  	_ =	swait.eq [sflag:s15], $0x1  }
0x94: {  	[sflag:s15] =	ssyncset.done $0x0  }
0x95: {  	s16 =	sld [smem:$0x10];
	[sflag:s15] =	ssyncadd.s32 $0xFFFFFFFF  }
0x96: {  	s17 =	sld [smem:$0x11];
	(tm) =	ssettm $0x1  }
0x97: {  	s18 =	sld [smem:$0x3FFB];
	_ =	sdelay $0x3  }
0x98: {  	_ =	strace s18  }
0x99: {  	s4 =	sld [smem:$0x3FFC];
	_ =	sdelay $0x3  }
0x9a: {  	_ =	strace s4  }
0x9b: {  	s4 =	sld [smem:$0x3FFD];
	_ =	sdelay $0x3  }
0x9c: {  	_ =	strace s4  }
0x9d: {  	_ =	strace $0x8FFFFFFF  }
0x9e: {  	s19 =	sld [smem:$0x3FDB];
	_ =	sdelay $0x1  }
0x9f: {  	s5 =	simm.s32 $_scs_section_size  }
0xa0: {  	s6 =	simm.s32 $_size__tile_overlayer_lowered;
	s7 =	simm.s32 $_tile_overlayer_lowered  }
0xa1: {  	s22 =	simm.s32 $0x1BFF;
	s21 =	sshll.u32 s7, $0x1;
	s4 =	sadd.s32 s5, s19  }
0xa2: {  	s8 =	simm.s32 $0x0;
	s20 =	sshll.u32 s6, $0x1;
	s6 =	sadd.s32 s21, s4  }
0xa3: {  	[timem:s8], [sflag:s22] =	dma.local [hbm:s6], s20  }
0xa4: {  	_ =	swait.ge [sflag:s22], s20  }
0xa5: {  	s5 =	ssub.s32 $0x0, s20;
	[sflag:s22] =	ssyncset.done $0x0  }
0xa6: {  	[sflag:s22] =	ssyncadd.s32 s5;
	_ =	sdelay $0x1  }
0xa7: {  	s23 =	simm.s32 $0x1B8B  }
0xa8: {  	_ =	swait.ge [sflag:s23], $0x1  }
0xa9: {  	[sflag:s23] =	ssyncset.done $0x0  }
0xaa: {  	s25 =	simm.s32 $0x1B8E;
	s24 =	sld [smem:$0x3FFE];
	[sflag:s23] =	ssyncadd.s32 $0xFFFFFFFF  }
0xab: {  	s26 =	simm.s32 $execute0_lowered;
	[smem:$0x3FD2] =	sst s25  }
0xac: {  	s6 =	sshll.u32 s26, $0x1;
	_ =	strace $0x80000046;
	[dreg:$0x1] =	wrdreg $0xFFFFFFFF  }
0xad: {  	s28 =	simm.s32 $_size_execute0_lowered;
	s4 =	sadd.s32 s4, s6;
	[dreg:$0x0] =	wrdreg $0x0  }
0xae: {  	s6 =	sshll.u32 s28, $0x1;
	[dreg:$0x2] =	wrdreg s4  }
0xaf: {  	[dreg:$0x3] =	wrdreg s6  }
0xb0: {  	[dreg:$0x4] =	wrdreg $0xC0  }
0xb1: {  	_ =	task [dreg:s8], $0x5FFFF  }
0xb2: {  	[dreg:$0x1] =	wrdreg $0xFFFFFFFF  }
0xb3: {  	[dreg:$0x0] =	wrdreg $0x60  }
0xb4: {  	[dreg:$0x2] =	wrdreg s17  }
0xb5: {  	[dreg:$0x3] =	wrdreg s16  }
0xb6: {  	[dreg:$0x4] =	wrdreg s24  }
0xb7: {  	[dreg:$0x5] =	wrdreg $0x9  }
0xb8: {  	_ =	task.clear_ibuf [dreg:s8], $0x6FFFF;
	_ =	strace $0x90000046  }
0xb9: {  	s29 =	simm.s32 $0x9;
	_ =	strace $0x80000048  }
0xba: {  	_ =	swait.ge [sflag:s29], $0x1  }
0xbb: {  	[sflag:s29] =	ssyncadd.s32 $0xFFFFFFFF  }
0xbc: {  	_ =	strace $0x90000048  }
0xbd: {  	_ =	sfence  }
0xbe: {  	s30 =	sld [smem:$0x0];
	_ =	sdelay $0x2  }
0xbf: {  	s31 =	sshll.u32 s1, $0xD;
	s1 =	sshrl.u32 s1, $0x2  }
0xc0: {  	s3 =	sand.u32 $0x4000, s31;
	s1 =	sadd.s32 s1, s30  }
0xc1: {  	s0 =	sor.u32 s3, s0;
	s1 =	sshll.u32 s1, $0x11  }
0xc2: {  	s0 =	sor.u32 s1, s0  }
0xc3: {  	s0 =	sadd.s32 $0x8F2B, s0  }
0xc4: {  	[sflag:s0] =	ssyncadd.remote.s32 $0x1  }
0xc5: {  	_ =	sfence.sel $0xFFFF  }
0xc6: {  	[dreg:$0x0] =	wrdreg $0xFFFFFFFF;
	(pc) =	sbr.abs _section_cstart, $3  }
0xc7: {  	[dreg:$0x1] =	wrdreg $0xFFFFFFFF  }
0xc8: {  	_ =	task.clear_ibuf [dreg:s8], $0x2FFFF;
	_ =	strace $0x9FFFFFFF  }
0xc9: {  	(tm) =	ssettm $0x7FFFFFFF  }
tec
execute0_lowered:
.L_overlay_start_1:
0x0: {  	(tag) =	ssettag $0x1  }
0x1: {  	s0 =	rddreg [dreg:$0x1]  }
0x2: {  	s1 =	srdreg.scid;
	s3 =	stileid.u32  }
0x3: {  	s2 =	rddreg [dreg:$0x2];
	s1 =	sand.u32 $0x1, s1;
	s4 =	sshll.u32 s3, $0x1  }
0x4: {  	s30 =	simm.s32 $0x0;
	s4 =	sor.u32 s1, s4;
	s1 =	ssub.s32 $0x2, s1  }
0x5: {  	s3 =	simm.s32 $0x0;
	s4 =	smul.u32 $0x600, s4;
	s5 =	sshrl.u32 s1, $0x1  }
0x6: {  	s2 =	sadd.s32 $0xE00, s2;
	[smem:$0x7FF] =	sst s3;
	s1 =	ssub.s32 s1, s5  }
0x7: {  	_ =	strace $0x80000047;
	s4 =	sshrl.u32 s4, $0x3;
	s21 =	smax.u32 s1, $0x1  }
0x8: {  	s22 =	sadd.s32 s0, s4;
	s23 =	sadd.s32 $0x1800, s4;
	s24 =	sadd.s32 $0x3000, s4  }
0x9: {  	s7 =	sadd.s32 $0x4800, s4;
	s26 =	sor.u32 $0x6000, s4;
	s9 =	sadd.s32 s2, s4  }
0xa: {  	[dreg:$0x4] =	wrdreg s22;
	s6 =	sadd.s32 s0, s23;
	s8 =	sadd.s32 s0, s24  }
0xb: {  	s25 =	sadd.s32 s0, s7;
	s0 =	sadd.s32 s0, s26;
	[dreg:$0x5] =	wrdreg s6  }
0xc: {  	s28 =	sadd.s32 s2, s23;
	s29 =	sadd.s32 s2, s24;
	[dreg:$0x6] =	wrdreg s8  }
0xd: {  	s31 =	sadd.s32 s2, s7;
	s13 =	sadd.s32 s2, s26;
	[dreg:$0x7] =	wrdreg s25  }
0xe: {  	v0 =	vlaneseq.u32;
	s14 =	sadd.s32 $0x7800, s9;
	s15 =	sadd.s32 $0x9000, s9;
	[dreg:$0x8] =	wrdreg s0  }
0xf: {  	v1 =	vor.u32 $0x640, v0;
	v2 =	vor.u32 $0xC80, v0;
	v3 =	vor.u32 $0x12C0, v0;
	s16 =	sadd.s32 $0xA800, s9;
	s17 =	sadd.s32 $0xC000, s9;
	[dreg:$0x9] =	wrdreg s28  }
0x10: {  	v4 =	vor.u32 $0x1900, v0;
	v5 =	vor.u32 $0x1F40, v0;
	v6 =	vor.u32 $0x2580, v0;
	s18 =	sadd.s32 $0xD800, s9;
	s19 =	sadd.s32 $0xF000, s9;
	[dreg:$0xa] =	wrdreg s29  }
0x11: {  	v7 =	vor.u32 $0x2BC0, v0;
	v8 =	vor.u32 $0x3200, v0;
	v9 =	vor.u32 $0x3840, v0;
	s20 =	sadd.s32 $0x10800, s9;
	s23 =	simm.s32 $0x1;
	[dreg:$0xb] =	wrdreg s31  }
.LBB2_1:
0x12: {  	s0 =	rddreg [dreg:$0x4];
	s1 =	simm.s32 $0x4B00  }
0x13: {  	[tilespmem:s1], [sflag:$0x1] =	stream.linear.gather [hbm4b:s0+s3], $0x600, $0x38;
	[tilespmem:$0xB100] =	vst v63  }
0x14: {  	_ =	swait.ge [sflag:s23], $0x600  }
0x15: {  	[sflag:s23] =	ssyncset.done $0x0  }
0x16: {  	s12 =	simm.s32 $0x5100;
	s11 =	rddreg [dreg:$0x5];
	[sflag:s23] =	ssyncadd.s32 $0xFFFFFA00  }
0x17: {  	[tilespmem:s12], [sflag:$0x1] =	stream.linear.gather [hbm4b:s11+s3], $0x600, $0x38;
	[tilespmem:$0xB100] =	vst v63  }
0x18: {  	_ =	swait.ge [sflag:s23], $0x600  }
0x19: {  	[sflag:s23] =	ssyncset.done $0x0  }
0x1a: {  	s24 =	simm.s32 $0x5700;
	s22 =	rddreg [dreg:$0x6];
	[sflag:s23] =	ssyncadd.s32 $0xFFFFFA00  }
0x1b: {  	[tilespmem:s24], [sflag:$0x1] =	stream.linear.gather [hbm4b:s22+s3], $0x600, $0x38;
	[tilespmem:$0xB100] =	vst v63  }
0x1c: {  	_ =	swait.ge [sflag:s23], $0x600  }
0x1d: {  	[sflag:s23] =	ssyncset.done $0x0  }
0x1e: {  	s26 =	simm.s32 $0x5D00;
	s25 =	rddreg [dreg:$0x7];
	[sflag:s23] =	ssyncadd.s32 $0xFFFFFA00  }
0x1f: {  	[tilespmem:s26], [sflag:$0x1] =	stream.linear.gather [hbm4b:s25+s3], $0x600, $0x38;
	[tilespmem:$0xB100] =	vst v63  }
0x20: {  	_ =	swait.ge [sflag:s23], $0x600  }
0x21: {  	[sflag:s23] =	ssyncset.done $0x0  }
0x22: {  	s29 =	simm.s32 $0x6300;
	s28 =	rddreg [dreg:$0x8];
	[sflag:s23] =	ssyncadd.s32 $0xFFFFFA00  }
0x23: {  	[tilespmem:s29], [sflag:$0x1] =	stream.linear.gather [hbm4b:s28+s3], $0x600, $0x38;
	[tilespmem:$0xB100] =	vst v63  }
0x24: {  	_ =	swait.ge [sflag:s23], $0x600  }
0x25: {  	[sflag:s23] =	ssyncset.done $0x0  }
0x26: {  	[sflag:s23] =	ssyncadd.s32 $0xFFFFFA00  }
0x27: {  	s31 =	rddreg [dreg:$0x0]  }
0x28: {  	[tilespmem:s3], [sflag:$0x1] =	stream.linear.gather [hbm4b:s31+s3], $0x3E80, $0x38;
	[tilespmem:$0xB100] =	vst v63  }
0x29: {  	_ =	swait.ge [sflag:s23], $0x3E80  }
0x2a: {  	[sflag:s23] =	ssyncset.done $0x0  }
0x2b: {  	s0 =	simm.s32 $0x1F40;
	[sflag:s23] =	ssyncadd.s32 $0xFFFFC180  }
0x2c: {  	v10 =	vld [tilespmem:s0+$0xFFFFE0C0]  }
0x2d: {  	v11 =	vld [tilespmem:s0+$0xFFFFF380]  }
0x2e: {  	s2 =	sand.u32 $0x7F0, s3;
	v12 =	vld [tilespmem:s0+$0xFFFFE700]  }
0x2f: {  	v13 =	vld [tilespmem:s2+$0xC80];
	_ =	sdelay $0x4  }
0x30: {  	v11 =	vsub.f32 v11, v12;
	v10 =	vsub.f32 v13, v10;
	_ =	sdelay $0x1  }
0x31: {  	v10 =	vmul.f32 v11, v10  }
0x32: {  	s1 =	simm.s32 $0x3E80  }
0x33: {  	[tilespmem:s1+$0x0] =	vst v10  }
0x34: {  	v11 =	vld [tilespmem:s2+$0x3200]  }
0x35: {  	v10 =	vld [tilespmem:s0+$0xC80]  }
0x36: {  	v62 =	vld [tilespmem:s0+$0x0]  }
0x37: {  	v63 =	vld [tilespmem:s2+$0x2580];
	_ =	sdelay $0x4  }
0x38: {  	s4 =	simm.s32 $0x10;
	s5 =	simm.s32 $0x3E80;
	v10 =	vsub.f32 v10, v62;
	v11 =	vsub.f32 v11, v63  }
.LBB2_2:
0x39: {  	p0 =	sne.s32 s4, $0x630;
	s1 =	sadd.s32 $0x10, s1;
	s0 =	sadd.s32 $0x10, s0  }
0x3a: {  	s2 =	smov.u32 s4;
	s4 =	sadd.s32 $0x10, s4;
	v10 =	vmul.f32 v11, v10;
	_ =	sdelay $0x1  }
0x3b: {  	[tilespmem:s5+$0x640] =	vst v10;
	s5 =	smov.u32 s1  }
0x3c: {  	v10 =	vld [tilespmem:s0+$0xFFFFE0C0]  }
0x3d: {  	v11 =	vld [tilespmem:s0+$0xFFFFF380]  }
0x3e: {  	s2 =	sand.u32 $0x7F0, s2;
	v12 =	vld [tilespmem:s0+$0xFFFFE700]  }
0x3f: {  	v13 =	vld [tilespmem:s2+$0xC80];
	_ =	sdelay $0x3  }
0x40: {  	v11 =	vsub.f32 v11, v12  }
0x41: {  	v10 =	vsub.f32 v13, v10;
	_ =	sdelay $0x1  }
0x42: {  	v10 =	vmul.f32 v11, v10;
	_ =	sdelay $0x1  }
0x43: {  	[tilespmem:s1+$0x0] =	vst v10  }
0x44: {  	v11 =	vld [tilespmem:s2+$0x3200]  }
0x45: {  	v10 =	vld [tilespmem:s0+$0xC80]  }
0x46: {  	v12 =	vld [tilespmem:s0+$0x0]  }
0x47: {  	v13 =	vld [tilespmem:s2+$0x2580]  }
.Ltmp0:
0x48: {  	(pc) =	sbr.rel @p0 .LBB2_2-.Ltmp0, $3  }
0x49: {  	_ =	sdelay $0x1  }
0x4a: {  	v10 =	vsub.f32 v10, v12  }
0x4b: {  	s2 =	simm.s32 $0x0;
	v11 =	vsub.f32 v11, v13  }
0x4c: {  	_ = 	snop  }
0x4d: {  	v10 =	vmul.f32 v11, v10;
	_ =	sdelay $0x1  }
0x4e: {  	s0 =	simm.s32 $0x0;
	[tilespmem:s5+$0x640] =	vst v10  }
.LBB2_4:
0x4f: {  	v15 =	vld [tilespmem:s2+$0x0]  }
0x50: {  	v16 =	vld [tilespmem:s2+$0x640]  }
0x51: {  	s24 =	sshll.u32 s0, $0x4;
	v17 =	vld [tilespmem:s2+$0x12C0]  }
0x52: {  	s5 =	sand.u32 $0x7F0, s2;
	s1 =	sand.u32 $0x780, s24;
	s22 =	sand.u32 $0x70, s24;
	v11 =	vld [tilespmem:s24+$0x4B00]  }
0x53: {  	v18 =	vld [tilespmem:s5+$0xC80];
	s4 =	sor.u32 s22, s1  }
0x54: {  	v12 =	vld [tilespmem:s4+$0x5100]  }
0x55: {  	v13 =	vld [tilespmem:s4+$0x5700]  }
0x56: {  	v14 =	vld [tilespmem:s4+$0x5D00];
	_ =	sdelay $0x2  }
0x57: {  	s10 =	simm.s32 $0x3E80;
	v10 =	vld [tilespmem:s24+$0x6300]  }
0x58: {  	s11 =	simm.s32 $0x10;
	v19 =	vld [tilespmem:s10+$0x0];
	v15 =	vmax.f32 v11, v15  }
0x59: {  	v20 =	vld [tilespmem:s11+$0x0];
	v17 =	vmin.f32 v14, v17;
	v16 =	vmax.f32 v12, v16;
	v18 =	vmin.f32 v13, v18  }
0x5a: {  	v21 =	vld [tilespmem:s11+$0x640];
	v16 =	vsub.f32 v17, v16;
	v15 =	vsub.f32 v18, v15  }
0x5b: {  	s12 =	simm.s32 $0x20;
	s6 =	sand.u32 $0x7F0, s11;
	v17 =	vld [tilespmem:s11+$0x12C0]  }
0x5c: {  	s25 =	sand.u32 $0x7F0, s12;
	v18 =	vld [tilespmem:s6+$0xC80];
	v16 =	vmax.f32 v16, $0.0e+00;
	v15 =	vmax.f32 v15, $0.0e+00  }
0x5d: {  	v23 =	vld [tilespmem:s25+$0xC80];
	v24 =	vmul.f32 v16, v15;
	v15 =	vadd.f32 v19, v10  }
0x5e: {  	v16 =	vld [tilespmem:s12+$0x640]  }
0x5f: {  	v19 =	vld [tilespmem:s12+$0x12C0];
	v15 =	vsub.f32 v15, v24  }
0x60: {  	s26 =	simm.s32 $0x3E90;
	v22 =	vld [tilespmem:s12+$0x0];
	v21 =	vmax.f32 v12, v21  }
0x61: {  	v25 =	vld [tilespmem:s26+$0x0];
	v17 =	vmin.f32 v14, v17;
	v18 =	vmin.f32 v13, v18;
	v15 =	vmax.f32 v15, $9.999999930e-09  }
0x62: {  	v17 =	vsub.f32 v17, v21;
	(erf) = vrcp.f32 v15;
	v15 =	vmax.f32 v11, v20  }
0x63: {  	s7 =	simm.s32 $0x3EA0;
	v23 =	vmin.f32 v13, v23;
	v15 =	vsub.f32 v18, v15  }
0x64: {  	v21 =	vld [tilespmem:s7+$0x0];
	v17 =	vmax.f32 v17, $0.0e+00;
	v19 =	vmin.f32 v14, v19;
	v16 =	vmax.f32 v12, v16  }
0x65: {  	s8 =	simm.s32 $0x30;
	v18 =	vmax.f32 v11, v22;
	v19 =	vsub.f32 v19, v16;
	v15 =	vmax.f32 v15, $0.0e+00  }
0x66: {  	v26 =	vld [tilespmem:s8+$0x640];
	s10 =	sand.u32 $0x7F0, s8;
	v18 =	vsub.f32 v23, v18;
	v23 =	vadd.f32 v25, v10;
	v17 =	vmul.f32 v17, v15  }
0x67: {  	v27 =	vld [tilespmem:s10+$0xC80]  }
0x68: {  	v22 =	vld [tilespmem:s8+$0x12C0];
	v19 =	vmax.f32 v19, $0.0e+00;
	v18 =	vmax.f32 v18, $0.0e+00;
	v28 =	vsub.f32 v23, v17  }
0x69: {  	v20 =	vld [tilespmem:s8+$0x0];
	v21 =	vadd.f32 v21, v10;
	v18 =	vmul.f32 v19, v18  }
0x6a: {  	s5 =	simm.s32 $0x40;
	v28 =	vmax.f32 v28, $9.999999930e-09  }
0x6b: {  	v25 =	vld [tilespmem:s5+$0x0];
	v21 =	vsub.f32 v21, v18;
	v29 =	vpop (erf);
	(erf) = vrcp.f32 v28  }
0x6c: {  	v26 =	vmax.f32 v12, v26;
	s11 =	simm.s32 $0x3EB0;
	v19 =	vld [tilespmem:s5+$0x640]  }
0x6d: {  	v27 =	vmin.f32 v13, v27;
	v23 =	vld [tilespmem:s11+$0x0];
	v22 =	vmin.f32 v14, v22;
	v28 =	vmax.f32 v21, $9.999999930e-09  }
0x6e: {  	s28 =	simm.s32 $0x1;
	s12 =	sand.u32 $0x7F0, s5;
	v20 =	vmax.f32 v11, v20;
	v26 =	vsub.f32 v22, v26;
	v22 =	vld [tilespmem:s5+$0x12C0];
	(erf) = vrcp.f32 v28  }
0x6f: {  	s31 =	simm.s32 $0x2;
	s29 =	simm.s32 $0x4;
	s25 =	sor.u32 $0x1800, s24;
	v27 =	vsub.f32 v27, v20;
	v20 =	vmul.f32 v29, v24;
	v24 =	vld [tilespmem:s12+$0xC80]  }
0x70: {  	s10 =	simm.s32 $0x50;
	s26 =	sadd.s32 $0xC00, s4;
	s7 =	simm.s32 $0x3EC0;
	v16 =	vimm.f32 $-1.000000000e+00;
	v15 =	vimm.s32 $0x0  }
0x71: {  	s4 =	simm.s32 $0x3;
	s6 =	simm.s32 $0x0;
	s8 =	simm.s32 $0x5;
	v27 =	vmax.f32 v27, $0.0e+00;
	v26 =	vmax.f32 v26, $0.0e+00;
	v21 =	vld [tilespmem:s7+$0x0];
	vm0 =	vgt.f32 v20, v16  }
.LBB2_5:
0x72: {  	v28 =	vld [tilespmem:s10+$0x0];
	v26 =	vmul.f32 v26, v27;
	v23 =	vadd.f32 v23, v10;
	v16 =	vsel vm0, v20, v16;
	s11 =	smov.u32 s8;
	p0 =	sne.s32 s8, $0x63  }
.Ltmp1:
0x73: {  	v20 =	vmax.f32 v11, v25;
	v30 =	vmax.f32 v12, v19;
	s5 =	sadd.s32 $0x10, s5;
	v25 =	vmin.f32 v14, v22;
	v19 =	vld [tilespmem:s10+$0x640];
	(pc) =	sbr.rel @p0 .LBB2_5-.Ltmp1, $4  }
0x74: {  	s8 =	sadd.s32 $0x1, s8;
	s12 =	sand.u32 $0x7F0, s5;
	v22 =	vld [tilespmem:s10+$0x12C0];
	v29 =	vmin.f32 v13, v24;
	v31 =	vsub.f32 v25, v30;
	v30 =	vsub.f32 v23, v26;
	v27 =	vpop (erf)  }
0x75: {  	v15 =	vsel vm0, s6, v15;
	s6 =	smov.u32 s28;
	s28 =	smov.u32 s31;
	s31 =	smov.u32 s4;
	v24 =	vld [tilespmem:s12+$0xC80];
	v29 =	vsub.f32 v29, v20;
	v20 =	vmul.f32 v27, v17;
	v17 =	vmovc v18;
	v18 =	vmovc v26  }
0x76: {  	s7 =	sadd.s32 $0x10, s7;
	s4 =	smov.u32 s29;
	s29 =	smov.u32 s11;
	v26 =	vmax.f32 v31, $0.0e+00;
	v30 =	vmax.f32 v30, $9.999999930e-09;
	v23 =	vmov v21  }
0x77: {  	s10 =	sadd.s32 $0x10, s10;
	v21 =	vld [tilespmem:s7+$0x0];
	v27 =	vmax.f32 v29, $0.0e+00;
	(erf) = vrcp.f32 v30;
	vm0 =	vgt.f32 v20, v16;
	v25 =	vmovc v28  }
0x78: {  	_ = 	snop  }
0x79: {  	v11 =	vmax.f32 v11, v25  }
0x7a: {  	v12 =	vmax.f32 v12, v19;
	v14 =	vmin.f32 v14, v22;
	v13 =	vmin.f32 v13, v24  }
0x7b: {  	v12 =	vsub.f32 v14, v12;
	v11 =	vsub.f32 v13, v11  }
0x7c: {  	v51 =	vmul.f32 v26, v27;
	v52 =	vadd.f32 v23, v10  }
0x7d: {  	v12 =	vmax.f32 v12, $0.0e+00;
	v11 =	vmax.f32 v11, $0.0e+00  }
0x7e: {  	v14 =	vsub.f32 v52, v51;
	v10 =	vadd.f32 v21, v10;
	v11 =	vmul.f32 v12, v11;
	_ =	sdelay $0x1  }
0x7f: {  	v53 =	vmax.f32 v14, $9.999999930e-09;
	v10 =	vsub.f32 v10, v11  }
0x80: {  	(erf) = vrcp.f32 v53  }
0x81: {  	v10 =	vmax.f32 v10, $9.999999930e-09  }
0x82: {  	(erf) = vrcp.f32 v10;
	_ =	sdelay $0x2  }
0x83: {  	v10 =	vpop (erf)  }
0x84: {  	v10 =	vmul.f32 v10, v17  }
0x85: {  	v55 =	vsel vm0, v20, v16;
	v54 =	vpop (erf)  }
0x86: {  	v12 =	vmul.f32 v54, v18;
	vm1 =	vgt.f32 v10, v55  }
0x87: {  	v56 =	vpop (erf);
	v10 =	vsel vm1, v10, v55  }
0x88: {  	v13 =	vmul.f32 v56, v51;
	vm2 =	vgt.f32 v12, v10  }
0x89: {  	v57 =	vsel vm0, s6, v15;
	v10 =	vsel vm2, v12, v10;
	v58 =	vpop (erf)  }
0x8a: {  	v14 =	vsel vm1, s28, v57;
	vm14 =	vgt.f32 v13, v10;
	v11 =	vmul.f32 v58, v11  }
0x8b: {  	v59 =	vsel vm2, s31, v14;
	v10 =	vsel vm14, v13, v10  }
0x8c: {  	v12 =	vsel vm14, s4, v59;
	vm15 =	vgt.f32 v11, v10  }
0x8d: {  	v12 =	vsel vm15, s29, v12  }
0x8e: {  	v12 =	vshll.u32 v12, $0x4  }
0x8f: {  	v60 =	vor.u32 v0, v12;
	_ =	sdelay $0x3  }
0x90: {  	s31 =	simm.s32 $0x0  }
0x91: {  	v13 =	vld.idx.msk [tilespmem:v60+s31+$0x0], $0xffff  }
0x92: {  	v61 =	vadd.s32 v1, v12;
	_ =	sdelay $0x3  }
0x93: {  	[tilespmem:s24+$0x6900] =	vst v13  }
0x94: {  	v13 =	vld.idx.msk [tilespmem:v61+s31+$0x0], $0xffff  }
0x95: {  	v62 =	vadd.s32 v2, v12;
	_ =	sdelay $0x3  }
0x96: {  	[tilespmem:s26+$0x6900] =	vst v13  }
0x97: {  	v13 =	vld.idx.msk [tilespmem:v62+s31+$0x0], $0xffff  }
0x98: {  	v63 =	vadd.s32 v3, v12;
	_ =	sdelay $0x3  }
0x99: {  	[tilespmem:s25+$0x6900] =	vst v13  }
0x9a: {  	v13 =	vld.idx.msk [tilespmem:v63+s31+$0x0], $0xffff  }
0x9b: {  	v12 =	vadd.s32 v4, v12;
	_ =	sdelay $0x2  }
0x9c: {  	s1 =	sadd.s32 s22, s1  }
0x9d: {  	s0 =	sadd.s32 $0x1, s0;
	[tilespmem:s1+$0x8D00] =	vst v13  }
0x9e: {  	p0 =	sne.s32 s0, $0x60;
	v12 =	vld.idx.msk [tilespmem:v12+s31+$0x0], $0xffff  }
.Ltmp2:
0x9f: {  	_ = 	snop;
	(pc) =	sbr.rel @p0 .LBB2_4-.Ltmp2, $4  }
0xa0: {  	_ = 	snop  }
0xa1: {  	v10 =	vsel vm15, v11, v10  }
0xa2: {  	[tilespmem:s1+$0xA500] =	vst v10  }
0xa3: {  	[tilespmem:s1+$0x9900] =	vst v12  }
0xa4: {  	s2 =	simm.s32 $0x0  }
.LBB2_8:
0xa5: {  	s4 =	sshll.u32 s2, $0x4  }
0xa6: {  	s5 =	simm.s32 $0x2BC0;
	v10 =	vld [tilespmem:s4+$0x4B00]  }
0xa7: {  	v15 =	vld [tilespmem:s5+$0x0]  }
0xa8: {  	s24 =	sand.u32 $0x7F0, s31;
	v16 =	vld [tilespmem:s5+$0xFFFFF380]  }
0xa9: {  	s0 =	sand.u32 $0x780, s4;
	s1 =	sand.u32 $0x70, s4;
	v17 =	vld [tilespmem:s24+$0x2580]  }
0xaa: {  	v18 =	vld [tilespmem:s24+$0x3200];
	s4 =	sor.u32 s1, s0  }
0xab: {  	v11 =	vld [tilespmem:s4+$0x5100]  }
0xac: {  	v14 =	vld [tilespmem:s4+$0x5700]  }
0xad: {  	s25 =	simm.s32 $0x44C0;
	v13 =	vld [tilespmem:s4+$0x5D00]  }
0xae: {  	s26 =	simm.s32 $0x2BD0;
	v19 =	vld [tilespmem:s25+$0x0]  }
0xaf: {  	v20 =	vld [tilespmem:s26+$0x0]  }
0xb0: {  	s6 =	simm.s32 $0x10;
	v21 =	vld [tilespmem:s26+$0xFFFFF380]  }
0xb1: {  	s29 =	sand.u32 $0x7F0, s6;
	v12 =	vld [tilespmem:s4+$0x6300];
	v16 =	vmax.f32 v10, v16;
	v15 =	vmin.f32 v14, v15  }
0xb2: {  	v18 =	vmin.f32 v13, v18;
	v17 =	vmax.f32 v11, v17;
	v15 =	vsub.f32 v15, v16;
	v16 =	vld [tilespmem:s29+$0x2580]  }
0xb3: {  	v17 =	vsub.f32 v18, v17;
	v18 =	vld [tilespmem:s29+$0x3200]  }
0xb4: {  	s7 =	simm.s32 $0x2BE0  }
0xb5: {  	s6 =	simm.s32 $0x44D0;
	v23 =	vld [tilespmem:s7+$0x0];
	v15 =	vmax.f32 v15, $0.0e+00;
	v17 =	vmax.f32 v17, $0.0e+00  }
0xb6: {  	s8 =	simm.s32 $0x20;
	v22 =	vld [tilespmem:s6+$0x0];
	v19 =	vadd.f32 v19, v12;
	v26 =	vmul.f32 v17, v15  }
0xb7: {  	s10 =	sand.u32 $0x7F0, s8;
	v21 =	vmax.f32 v10, v21;
	v20 =	vmin.f32 v14, v20;
	v15 =	vld [tilespmem:s7+$0xFFFFF380]  }
0xb8: {  	v24 =	vld [tilespmem:s10+$0x3200];
	v19 =	vsub.f32 v19, v26;
	v18 =	vmin.f32 v13, v18;
	v16 =	vmax.f32 v11, v16  }
0xb9: {  	v20 =	vsub.f32 v20, v21;
	v17 =	vld [tilespmem:s10+$0x2580];
	v16 =	vsub.f32 v18, v16  }
0xba: {  	s11 =	simm.s32 $0x44E0;
	v21 =	vmin.f32 v14, v23;
	v19 =	vmax.f32 v19, $9.999999930e-09  }
0xbb: {  	s12 =	simm.s32 $0x2BF0;
	v20 =	vmax.f32 v20, $0.0e+00;
	v18 =	vld [tilespmem:s11+$0x0];
	(erf) = vrcp.f32 v19;
	v16 =	vmax.f32 v16, $0.0e+00  }
0xbc: {  	s22 =	simm.s32 $0x30;
	v25 =	vld [tilespmem:s12+$0xFFFFF380];
	v19 =	vadd.f32 v22, v12;
	v23 =	vmax.f32 v10, v15;
	v15 =	vmul.f32 v16, v20  }
0xbd: {  	s24 =	sand.u32 $0x7F0, s22;
	v22 =	vld [tilespmem:s12+$0x0]  }
0xbe: {  	v27 =	vld [tilespmem:s24+$0x2580];
	v17 =	vmax.f32 v11, v17;
	v16 =	vmin.f32 v13, v24;
	v19 =	vsub.f32 v19, v15  }
0xbf: {  	s25 =	simm.s32 $0x44F0;
	v20 =	vsub.f32 v21, v23;
	v21 =	vld [tilespmem:s24+$0x3200];
	v17 =	vsub.f32 v16, v17  }
0xc0: {  	s26 =	simm.s32 $0x2C00;
	v28 =	vld [tilespmem:s25+$0x0];
	v23 =	vadd.f32 v18, v12;
	v19 =	vmax.f32 v19, $9.999999930e-09  }
0xc1: {  	v29 =	vld [tilespmem:s26+$0x0];
	v18 =	vmax.f32 v20, $0.0e+00;
	v17 =	vmax.f32 v17, $0.0e+00;
	(erf) = vrcp.f32 v19  }
0xc2: {  	s6 =	simm.s32 $0x40;
	v20 =	vmax.f32 v10, v25;
	v22 =	vmin.f32 v14, v22;
	v18 =	vmul.f32 v17, v18  }
0xc3: {  	s28 =	simm.s32 $0x3;
	s29 =	sand.u32 $0x7F0, s6;
	v16 =	vimm.f32 $-1.000000000e+00;
	v17 =	vimm.s32 $0x0;
	v19 =	vld [tilespmem:s26+$0xFFFFF380];
	v30 =	vsub.f32 v22, v20  }
0xc4: {  	s8 =	simm.s32 $0x5;
	s5 =	simm.s32 $0x0;
	s25 =	simm.s32 $0x1;
	v24 =	vld [tilespmem:s29+$0x3200];
	v21 =	vmin.f32 v13, v21;
	v22 =	vmax.f32 v11, v27;
	v31 =	vsub.f32 v23, v18;
	v23 =	vpop (erf)  }
0xc5: {  	s22 =	sadd.s32 $0x600, s4;
	s7 =	simm.s32 $0x4500;
	s10 =	simm.s32 $0x2C10;
	v20 =	vld [tilespmem:s29+$0x2580];
	v25 =	vsub.f32 v21, v22;
	v21 =	vadd.f32 v28, v12;
	v23 =	vmul.f32 v23, v26  }
0xc6: {  	s24 =	sadd.s32 $0x1200, s4;
	s4 =	simm.s32 $0x2;
	s26 =	simm.s32 $0x4;
	v22 =	vld [tilespmem:s7+$0x0];
	v27 =	vmax.f32 v30, $0.0e+00;
	v28 =	vmax.f32 v31, $9.999999930e-09;
	v26 =	vmin.f32 v14, v29  }
.LBB2_9:
0xc7: {  	v29 =	vld [tilespmem:s10+$0x0];
	v25 =	vmax.f32 v25, $0.0e+00;
	(erf) = vrcp.f32 v28;
	vm0 =	vgt.f32 v23, v16;
	s11 =	smov.u32 s8;
	p0 =	sne.s32 s8, $0x63  }
.Ltmp3:
0xc8: {  	s6 =	sadd.s32 $0x10, s6;
	v28 =	vmax.f32 v10, v19;
	v30 =	vmul.f32 v25, v27;
	v16 =	vsel vm0, v23, v16;
	(pc) =	sbr.rel @p0 .LBB2_9-.Ltmp3, $4  }
0xc9: {  	s12 =	sand.u32 $0x7F0, s6;
	v17 =	vsel vm0, s5, v17;
	s5 =	smov.u32 s25;
	s25 =	smov.u32 s4;
	v19 =	vld [tilespmem:s10+$0xFFFFF380];
	v27 =	vsub.f32 v26, v28  }
0xca: {  	s8 =	sadd.s32 $0x1, s8;
	s4 =	smov.u32 s28;
	v25 =	vmax.f32 v11, v20;
	v23 =	vmin.f32 v13, v24;
	v20 =	vld [tilespmem:s12+$0x2580];
	v28 =	vsub.f32 v21, v30;
	v26 =	vpop (erf)  }
0xcb: {  	s7 =	sadd.s32 $0x10, s7;
	s28 =	smov.u32 s26;
	s26 =	smov.u32 s11;
	v24 =	vld [tilespmem:s12+$0x3200];
	v25 =	vsub.f32 v23, v25;
	v21 =	vadd.f32 v22, v12;
	v23 =	vmul.f32 v26, v15;
	v15 =	vmovc v18  }
0xcc: {  	s10 =	sadd.s32 $0x10, s10;
	v27 =	vmax.f32 v27, $0.0e+00;
	v18 =	vmovc v30;
	v22 =	vld [tilespmem:s7+$0x0];
	v26 =	vmin.f32 v14, v29;
	v28 =	vmax.f32 v28, $9.999999930e-09  }
0xcd: {  	_ =	sdelay $0x2  }
0xce: {  	v10 =	vmax.f32 v10, v19;
	v11 =	vmax.f32 v11, v20;
	v13 =	vmin.f32 v13, v24  }
0xcf: {  	v14 =	vmax.f32 v25, $0.0e+00;
	v10 =	vsub.f32 v26, v10;
	v11 =	vsub.f32 v13, v11  }
0xd0: {  	v53 =	vmul.f32 v14, v27  }
0xd1: {  	v10 =	vmax.f32 v10, $0.0e+00;
	v11 =	vmax.f32 v11, $0.0e+00  }
0xd2: {  	v14 =	vsub.f32 v21, v53;
	v12 =	vadd.f32 v22, v12;
	v10 =	vmul.f32 v11, v10  }
0xd3: {  	(erf) = vrcp.f32 v28  }
0xd4: {  	v11 =	vmax.f32 v14, $9.999999930e-09;
	v12 =	vsub.f32 v12, v10  }
0xd5: {  	(erf) = vrcp.f32 v11  }
0xd6: {  	v11 =	vmax.f32 v12, $9.999999930e-09  }
0xd7: {  	(erf) = vrcp.f32 v11;
	_ =	sdelay $0x2  }
0xd8: {  	v11 =	vpop (erf)  }
0xd9: {  	vm0 =	vgt.f32 v23, v16;
	v11 =	vmul.f32 v11, v15  }
0xda: {  	v55 =	vsel vm0, v23, v16;
	v54 =	vpop (erf)  }
0xdb: {  	v12 =	vmul.f32 v54, v18;
	vm1 =	vgt.f32 v11, v55  }
0xdc: {  	v56 =	vpop (erf);
	v11 =	vsel vm1, v11, v55  }
0xdd: {  	v13 =	vmul.f32 v56, v53;
	vm2 =	vgt.f32 v12, v11  }
0xde: {  	v57 =	vsel vm0, s5, v17;
	v11 =	vsel vm2, v12, v11;
	v58 =	vpop (erf)  }
0xdf: {  	v14 =	vsel vm1, s25, v57;
	vm14 =	vgt.f32 v13, v11;
	v10 =	vmul.f32 v58, v10  }
0xe0: {  	v59 =	vsel vm2, s4, v14;
	v11 =	vsel vm14, v13, v11  }
0xe1: {  	v12 =	vsel vm14, s28, v59;
	vm15 =	vgt.f32 v10, v11  }
0xe2: {  	v12 =	vsel vm15, s26, v12  }
0xe3: {  	v12 =	vshll.u32 v12, $0x4  }
0xe4: {  	v60 =	vadd.s32 v5, v12;
	_ =	sdelay $0x4  }
0xe5: {  	v13 =	vld.idx.msk [tilespmem:v60+s3+$0x0], $0xffff  }
0xe6: {  	v61 =	vadd.s32 v6, v12;
	_ =	sdelay $0x3  }
0xe7: {  	[tilespmem:s22+$0x6900] =	vst v13  }
0xe8: {  	v13 =	vld.idx.msk [tilespmem:v61+s3+$0x0], $0xffff  }
0xe9: {  	v62 =	vadd.s32 v7, v12;
	_ =	sdelay $0x3  }
0xea: {  	[tilespmem:s24+$0x6900] =	vst v13  }
0xeb: {  	v13 =	vld.idx.msk [tilespmem:v62+s3+$0x0], $0xffff  }
0xec: {  	v63 =	vadd.s32 v8, v12;
	_ =	sdelay $0x2  }
0xed: {  	s0 =	sadd.s32 s1, s0  }
0xee: {  	[tilespmem:s0+$0x8700] =	vst v13  }
0xef: {  	v13 =	vld.idx.msk [tilespmem:v63+s3+$0x0], $0xffff  }
0xf0: {  	v12 =	vadd.s32 v9, v12;
	_ =	sdelay $0x3  }
0xf1: {  	s2 =	sadd.s32 $0x1, s2;
	[tilespmem:s0+$0x9300] =	vst v13  }
0xf2: {  	p0 =	sne.s32 s2, $0x60;
	v12 =	vld.idx.msk [tilespmem:v12+s3+$0x0], $0xffff  }
.Ltmp4:
0xf3: {  	_ = 	snop;
	(pc) =	sbr.rel @p0 .LBB2_8-.Ltmp4, $4  }
0xf4: {  	_ = 	snop  }
0xf5: {  	v10 =	vsel vm15, v10, v11  }
0xf6: {  	[tilespmem:s0+$0xAB00] =	vst v10  }
0xf7: {  	[tilespmem:s0+$0x9F00] =	vst v12  }
0xf8: {  	s0 =	simm.s32 $0x6900  }
0xf9: {  	[hbm4b:s9+s3] =	stream.linear.scatter [tilespmem:s0], [sflag:$0x1], $0x600, $0x38;
	[tilespmem:$0xB100] =	vst v63  }
0xfa: {  	_ =	swait.ge [sflag:s23], $0x600  }
0xfb: {  	[sflag:s23] =	ssyncset.done $0x0  }
0xfc: {  	s1 =	simm.s32 $0x6F00;
	s6 =	rddreg [dreg:$0x9];
	[sflag:s23] =	ssyncadd.s32 $0xFFFFFA00  }
0xfd: {  	[hbm4b:s6+s3] =	stream.linear.scatter [tilespmem:s1], [sflag:$0x1], $0x600, $0x38;
	[tilespmem:$0xB100] =	vst v63  }
0xfe: {  	_ =	swait.ge [sflag:s23], $0x600  }
0xff: {  	[sflag:s23] =	ssyncset.done $0x0  }
0x100: {  	s8 =	simm.s32 $0x7500;
	s7 =	rddreg [dreg:$0xa];
	[sflag:s23] =	ssyncadd.s32 $0xFFFFFA00  }
0x101: {  	[hbm4b:s7+s3] =	stream.linear.scatter [tilespmem:s8], [sflag:$0x1], $0x600, $0x38;
	[tilespmem:$0xB100] =	vst v63  }
0x102: {  	_ =	swait.ge [sflag:s23], $0x600  }
0x103: {  	[sflag:s23] =	ssyncset.done $0x0  }
0x104: {  	s11 =	simm.s32 $0x7B00;
	s10 =	rddreg [dreg:$0xb];
	[sflag:s23] =	ssyncadd.s32 $0xFFFFFA00  }
0x105: {  	[hbm4b:s10+s3] =	stream.linear.scatter [tilespmem:s11], [sflag:$0x1], $0x600, $0x38;
	[tilespmem:$0xB100] =	vst v63  }
0x106: {  	_ =	swait.ge [sflag:s23], $0x600  }
0x107: {  	[sflag:s23] =	ssyncset.done $0x0  }
0x108: {  	s12 =	simm.s32 $0x8100;
	[sflag:s23] =	ssyncadd.s32 $0xFFFFFA00  }
0x109: {  	[hbm4b:s13+s3] =	stream.linear.scatter [tilespmem:s12], [sflag:$0x1], $0x600, $0x38;
	[tilespmem:$0xB100] =	vst v63  }
0x10a: {  	_ =	swait.ge [sflag:s23], $0x600  }
0x10b: {  	[sflag:s23] =	ssyncset.done $0x0  }
0x10c: {  	s22 =	simm.s32 $0x8700;
	[sflag:s23] =	ssyncadd.s32 $0xFFFFFA00  }
0x10d: {  	[hbm4b:s14+s3] =	stream.linear.scatter [tilespmem:s22], [sflag:$0x1], $0x600, $0x38;
	[tilespmem:$0xB100] =	vst v63  }
0x10e: {  	_ =	swait.ge [sflag:s23], $0x600  }
0x10f: {  	[sflag:s23] =	ssyncset.done $0x0  }
0x110: {  	s24 =	simm.s32 $0x8D00;
	[sflag:s23] =	ssyncadd.s32 $0xFFFFFA00  }
0x111: {  	[hbm4b:s15+s3] =	stream.linear.scatter [tilespmem:s24], [sflag:$0x1], $0x600, $0x38;
	[tilespmem:$0xB100] =	vst v63  }
0x112: {  	_ =	swait.ge [sflag:s23], $0x600  }
0x113: {  	[sflag:s23] =	ssyncset.done $0x0  }
0x114: {  	s25 =	simm.s32 $0x9300;
	[sflag:s23] =	ssyncadd.s32 $0xFFFFFA00  }
0x115: {  	[hbm4b:s16+s3] =	stream.linear.scatter [tilespmem:s25], [sflag:$0x1], $0x600, $0x38;
	[tilespmem:$0xB100] =	vst v63  }
0x116: {  	_ =	swait.ge [sflag:s23], $0x600  }
0x117: {  	[sflag:s23] =	ssyncset.done $0x0  }
0x118: {  	s26 =	simm.s32 $0x9900;
	[sflag:s23] =	ssyncadd.s32 $0xFFFFFA00  }
0x119: {  	[hbm4b:s17+s3] =	stream.linear.scatter [tilespmem:s26], [sflag:$0x1], $0x600, $0x38;
	[tilespmem:$0xB100] =	vst v63  }
0x11a: {  	_ =	swait.ge [sflag:s23], $0x600  }
0x11b: {  	[sflag:s23] =	ssyncset.done $0x0  }
0x11c: {  	s28 =	simm.s32 $0x9F00;
	[sflag:s23] =	ssyncadd.s32 $0xFFFFFA00  }
0x11d: {  	[hbm4b:s18+s3] =	stream.linear.scatter [tilespmem:s28], [sflag:$0x1], $0x600, $0x38;
	[tilespmem:$0xB100] =	vst v63  }
0x11e: {  	_ =	swait.ge [sflag:s23], $0x600  }
0x11f: {  	[sflag:s23] =	ssyncset.done $0x0  }
0x120: {  	s29 =	simm.s32 $0xA500;
	[sflag:s23] =	ssyncadd.s32 $0xFFFFFA00  }
0x121: {  	[hbm4b:s19+s3] =	stream.linear.scatter [tilespmem:s29], [sflag:$0x1], $0x600, $0x38;
	[tilespmem:$0xB100] =	vst v63  }
0x122: {  	s30 =	sadd.s32 $0x1, s30;
	_ =	swait.ge [sflag:s23], $0x600  }
0x123: {  	p0 =	sne.s32 s30, s21;
	[sflag:s23] =	ssyncset.done $0x0  }
.Ltmp5:
0x124: {  	s31 =	simm.s32 $0xAB00;
	[sflag:s23] =	ssyncadd.s32 $0xFFFFFA00;
	(pc) =	sbr.rel @p0 .LBB2_1-.Ltmp5, $4  }
0x125: {  	[hbm4b:s20+s3] =	stream.linear.scatter [tilespmem:s31], [sflag:$0x1], $0x600, $0x38;
	[tilespmem:$0xB100] =	vst v63  }
0x126: {  	_ =	swait.ge [sflag:s23], $0x600  }
0x127: {  	[sflag:s23] =	ssyncset.done $0x0  }
0x128: {  	[sflag:s23] =	ssyncadd.s32 $0xFFFFFA00  }
0x129: {  	_ =	sfence.sel $0x180000  }
0x12a: {  	[bflag:$0x0] =	sbarrier.arrive $0xFFFF  }
0x12b: {  	_ =	strace $0x90000047  }
0x12c: {  	s0 =	stileid.u32;
	[bflag:$0x2] =	sbarrier.arrive $0xFFFF  }
0x12d: {  	p0 =	sne.s32 s0, $0x0;
	s0 =	rddreg [dreg:$0x3]  }
0x12e: {  	s0 =	sadd.s32 @!p0 $0x100000, s0  }
0x12f: {  	[sflag:s0] =	ssyncadd.tile.s32 @!p0 $0x1;
	_ =	shalt  }
.Lfunc_end2:
_tile_overlayer_lowered:
.L_overlay_start_2:
0x130: {  	(tag) =	ssettag $0x2  }
0x131: {  	s0 =	rddreg [dreg:$0x0];
	s2 =	stileid.u32  }
0x132: {  	s1 =	rddreg [dreg:$0x1];
	p0 =	sne.s32 s2, $0x0  }
0x133: {  	s3 =	rddreg [dreg:$0x2];
	[bflag:$0x3] =	sbarrier.arrive $0xFFFF;
	s2 =	simm.s32 @!p0 $0x1C01  }
0x134: {  	[timem:s3], [sflag:s2] =	dma.local @!p0 [hbm:s0], s1  }
0x135: {  	s0 =	simm.s32 @!p0 $0x1  }
0x136: {  	_ =	swait.ge @!p0 [sflag:s0], s1  }
0x137: {  	s1 =	ssub.s32 @!p0 $0x0, s1;
	[sflag:s0] =	ssyncset.done @!p0 $0x0  }
0x138: {  	[sflag:s0] =	ssyncadd.s32 @!p0 s1  }
0x139: {  	[bflag:$0x3] =	sbarrier.arrive $0xFFFF  }
0x13a: {  	_ =	shalt  }

</sc_bundles>
